<compile_context>
chip_gen: v7x
topology: tpu7x:2x2x1
jax: 0.10.2.dev20260603
libtpu: 0.0.44.dev20260713+nightly
codegen_flags: <defaults>
</compile_context>

<pallas_src>
import functools

import jax
import jax.numpy as jnp
from jax import lax
from jax.experimental import pallas as pl
from jax.experimental.pallas import tpu as pltpu
from jax.experimental.pallas import tpu_sc as plsc

B_TOK = 16384
T_TOK = 50
D = 64
NC = 2
NS = 16
NW = NC * NS
ROWS_W = B_TOK // NW
RB = 8
N_OUTER = ROWS_W // RB

_mesh = plsc.VectorSubcoreMesh(core_axis_name="c", subcore_axis_name="s")


@functools.partial(
    pl.kernel,
    out_type=jax.ShapeDtypeStruct((B_TOK, T_TOK, D), jnp.float32),
    mesh=_mesh,
    scratch_types=[
        pltpu.VMEM((ROWS_W, T_TOK), jnp.int32),
        pltpu.VMEM((RB, T_TOK, D), jnp.float32),
        pltpu.VMEM((RB, T_TOK, D), jnp.float32),
        pltpu.SemaphoreType.DMA,
        pltpu.SemaphoreType.DMA,
        pltpu.SemaphoreType.DMA,
        pltpu.SemaphoreType.DMA,
    ],
    compiler_params=pltpu.CompilerParams(use_tc_tiling_on_sc=False),
)
def _sc_gather(idx_hbm, table_hbm, out_hbm, idx_v, rows0, rows1,
               gsem0, gsem1, osem0, osem1):
    wid = lax.axis_index("s") * NC + lax.axis_index("c")
    row_base = wid * ROWS_W

    pltpu.sync_copy(idx_hbm.at[pl.ds(row_base, ROWS_W), :], idx_v)

    def fire_gathers(k, rows, gsem):
        for r in range(RB):
            pltpu.async_copy(
                table_hbm.at[idx_v.at[k * RB + r]],
                rows.at[r],
                gsem,
            )

    def drain_gather(rows, gsem):
        pltpu.make_async_copy(
            out_hbm.at[pl.ds(0, RB)], rows, gsem).wait()

    def drain_writeout(rows, osem):
        pltpu.make_async_copy(
            rows, out_hbm.at[pl.ds(0, RB)], osem).wait()

    fire_gathers(0, rows0, gsem0)

    @pl.loop(0, N_OUTER, step=2)
    def _outer(i):
        for half in range(2):
            k = i + half
            if half == 0:
                rows_cur, rows_nxt = rows0, rows1
                gsem_cur, gsem_nxt = gsem0, gsem1
                osem_cur, osem_nxt = osem0, osem1
            else:
                rows_cur, rows_nxt = rows1, rows0
                gsem_cur, gsem_nxt = gsem1, gsem0
                osem_cur, osem_nxt = osem1, osem0

            @pl.when(k > 0)
            def _():
                drain_writeout(rows_nxt, osem_nxt)

            @pl.when(k + 1 < N_OUTER)
            def _():
                fire_gathers(k + 1, rows_nxt, gsem_nxt)

            drain_gather(rows_cur, gsem_cur)
            pltpu.async_copy(
                rows_cur,
                out_hbm.at[pl.ds(row_base + k * RB, RB)],
                osem_cur,
            )

    drain_writeout(rows1, osem1)


def kernel(token_idx, tokenvectors):
    return _sc_gather(token_idx, tokenvectors)

# --- scband reference (transcript-rebuilt; emitter-appended) ---
"""Pipeline reference for scband-tokenstore-77094662963438 (READ-ONLY COPY).

The authoritative reference and input builder live on the scoring server;
editing this copy changes nothing except your own understanding.
"""

import jax, jax.numpy as jnp
import numpy as np

VOC_LENGTH = 1000000
EMBED = 64
INIT_A = -0.01
INIT_B = 0.01

def setup_inputs(seed: int = 0) -> dict:
    key = jax.random.key(seed)
    k1, k2 = jax.random.split(key)
    token_idx = jax.random.randint(k1, (16384, 50), 0, VOC_LENGTH, dtype=jnp.int64 if jax.config.jax_enable_x64 else jnp.int32)
    tokenvectors = jax.random.uniform(k2, (VOC_LENGTH + 2, EMBED), dtype=jnp.float32, minval=INIT_A, maxval=INIT_B)
    return {"token_idx": token_idx, "tokenvectors": tokenvectors}

def reference(token_idx, tokenvectors):
    # Tokenstore.forward with use_embed=False: tokenvectors[token_idx, :]
    batch_tokens = jnp.take(tokenvectors, token_idx, axis=0)
    return batch_tokens

if __name__ == "__main__":
    import jax
    _d = setup_inputs()
    print(jax.jit(kernel)(*tuple(_d.values())))

</pallas_src>

<mosaic_0001>
#map = affine_map<(d0, d1) -> (0, 0)>
#map1 = affine_map<(d0, d1) -> (0, 0, 0)>
module attributes {stable_mosaic.version = 14 : i64} {
  func.func @_sc_gather(%arg0: i32, %arg1: i32, %arg2: memref<16384x50xi32, #tpu.memory_space<hbm>>, %arg3: memref<1000002x64xf32, #tpu.memory_space<hbm>>, %arg4: memref<16384x50x64xf32, #tpu.memory_space<hbm>>, %arg5: memref<512x50xi32, #tpu.memory_space<vmem>>, %arg6: memref<8x50x64xf32, #tpu.memory_space<vmem>>, %arg7: memref<8x50x64xf32, #tpu.memory_space<vmem>>, %arg8: memref<!tpu.dma_semaphore, #tpu.memory_space<semaphore_mem>>, %arg9: memref<!tpu.dma_semaphore, #tpu.memory_space<semaphore_mem>>, %arg10: memref<!tpu.dma_semaphore, #tpu.memory_space<semaphore_mem>>, %arg11: memref<!tpu.dma_semaphore, #tpu.memory_space<semaphore_mem>>) attributes {dimension_semantics = [#tpu.dimension_semantics<core_parallel>, #tpu.dimension_semantics<subcore_parallel>], iteration_bounds = array<i64: 2, 16>, scalar_prefetch = 0 : i64, scratch_operands = 7 : i64, tpu.core_type = #tpu.core_type<sc_vector_subcore>, window_params = [{transform_indices = #map}, {transform_indices = #map}, {transform_indices = #map1}]} {
    %mul3A = arith.constant 2 : i32
    %mul3A_0 = arith.muli %arg1, %mul3A : i32
    %add3A = arith.addi %mul3A_0, %arg0 : i32
    %mul3A_1 = arith.constant 512 : i32
    %mul3A_2 = arith.muli %add3A, %mul3A_1 : i32
    "tpu.region"() ({
      %run_scoped3A = tpu.sem_alloc : memref<!tpu.dma_semaphore, #tpu.memory_space<semaphore_mem>>
      %dma_start3A_109 = arith.constant 0 : i32
      %dma_start3A_110 = tpu.memref_slice %arg2[%mul3A_2, %dma_start3A_109] : memref<16384x50xi32, #tpu.memory_space<hbm>> -> memref<512x50xi32, #tpu.memory_space<hbm>>
      %dma_start3A_111 = arith.constant 0 : i32
      %dma_start3A_112 = tpu.memref_slice %arg2[%mul3A_2, %dma_start3A_111] : memref<16384x50xi32, #tpu.memory_space<hbm>> -> memref<512x50xi32, #tpu.memory_space<hbm>>
      tpu.enqueue_dma source(%dma_start3A_112 : memref<512x50xi32, #tpu.memory_space<hbm>>) target(%arg5 : memref<512x50xi32, #tpu.memory_space<vmem>>) target_semaphore(%run_scoped3A : memref<!tpu.dma_semaphore, #tpu.memory_space<semaphore_mem>>)
      %dma_wait3A_113 = arith.constant 0 : i32
      %dma_wait3A_114 = tpu.memref_slice %arg2[%mul3A_2, %dma_wait3A_113] : memref<16384x50xi32, #tpu.memory_space<hbm>> -> memref<512x50xi32, #tpu.memory_space<hbm>>
      %dma_wait3A_115 = arith.constant 0 : i32
      %dma_wait3A_116 = tpu.memref_slice %arg2[%mul3A_2, %dma_wait3A_115] : memref<16384x50xi32, #tpu.memory_space<hbm>> -> memref<512x50xi32, #tpu.memory_space<hbm>>
      tpu.wait_dma2 semaphore(%run_scoped3A : memref<!tpu.dma_semaphore, #tpu.memory_space<semaphore_mem>>) src(%dma_wait3A_116 : memref<512x50xi32, #tpu.memory_space<hbm>>) dst(%arg5 : memref<512x50xi32, #tpu.memory_space<vmem>>)
      tpu.yield
    }) : () -> ()
    %dma_start3A = arith.constant 0 : i32
    %dma_start3A_3 = arith.constant 0 : i32
    %dma_start3A_4 = arith.constant 0 : i32
    %dma_start3A_5 = arith.constant 0 : i32
    %dma_start3A_6 = tpu.memref_slice %arg6[%dma_start3A_3, %dma_start3A_4, %dma_start3A_5] : memref<8x50x64xf32, #tpu.memory_space<vmem>> -> memref<1x50x64xf32, #tpu.memory_space<vmem>>
    %dma_start3A_7 = tpu.memref_squeeze %dma_start3A_6 : memref<1x50x64xf32, #tpu.memory_space<vmem>> -> memref<50x64xf32, #tpu.memory_space<vmem>>
    %dma_start3A_8 = arith.constant 0 : i32
    %dma_start3A_9 = tpu.memref_slice %arg5[%dma_start3A, %dma_start3A_8] : memref<512x50xi32, #tpu.memory_space<vmem>> -> memref<1x50xi32, #tpu.memory_space<vmem>>
    %dma_start3A_10 = tpu.memref_squeeze %dma_start3A_9 : memref<1x50xi32, #tpu.memory_space<vmem>> -> memref<50xi32, #tpu.memory_space<vmem>>
    %dma_start3A_11 = arith.constant 0 : i32
    %dma_start3A_12 = arith.constant 0 : i32
    %dma_start3A_13 = tpu.memref_slice %arg3[%dma_start3A_11, %dma_start3A_12] : memref<1000002x64xf32, #tpu.memory_space<hbm>> -> memref<1000002x64xf32, #tpu.memory_space<hbm>>
    tpu.enqueue_indirect_dma source(%dma_start3A_13 : memref<1000002x64xf32, #tpu.memory_space<hbm>>) target(%dma_start3A_7 : memref<50x64xf32, #tpu.memory_space<vmem>>) offsets(%dma_start3A_10 : memref<50xi32, #tpu.memory_space<vmem>>) semaphore(%arg8 : memref<!tpu.dma_semaphore, #tpu.memory_space<semaphore_mem>>)
    %dma_start3A_14 = arith.constant 1 : i32
    %dma_start3A_15 = arith.constant 1 : i32
    %dma_start3A_16 = arith.constant 0 : i32
    %dma_start3A_17 = arith.constant 0 : i32
    %dma_start3A_18 = tpu.memref_slice %arg6[%dma_start3A_15, %dma_start3A_16, %dma_start3A_17] : memref<8x50x64xf32, #tpu.memory_space<vmem>> -> memref<1x50x64xf32, #tpu.memory_space<vmem>>
    %dma_start3A_19 = tpu.memref_squeeze %dma_start3A_18 : memref<1x50x64xf32, #tpu.memory_space<vmem>> -> memref<50x64xf32, #tpu.memory_space<vmem>>
    %dma_start3A_20 = arith.constant 0 : i32
    %dma_start3A_21 = tpu.memref_slice %arg5[%dma_start3A_14, %dma_start3A_20] : memref<512x50xi32, #tpu.memory_space<vmem>> -> memref<1x50xi32, #tpu.memory_space<vmem>>
    %dma_start3A_22 = tpu.memref_squeeze %dma_start3A_21 : memref<1x50xi32, #tpu.memory_space<vmem>> -> memref<50xi32, #tpu.memory_space<vmem>>
    %dma_start3A_23 = arith.constant 0 : i32
    %dma_start3A_24 = arith.constant 0 : i32
    %dma_start3A_25 = tpu.memref_slice %arg3[%dma_start3A_23, %dma_start3A_24] : memref<1000002x64xf32, #tpu.memory_space<hbm>> -> memref<1000002x64xf32, #tpu.memory_space<hbm>>
    tpu.enqueue_indirect_dma source(%dma_start3A_25 : memref<1000002x64xf32, #tpu.memory_space<hbm>>) target(%dma_start3A_19 : memref<50x64xf32, #tpu.memory_space<vmem>>) offsets(%dma_start3A_22 : memref<50xi32, #tpu.memory_space<vmem>>) semaphore(%arg8 : memref<!tpu.dma_semaphore, #tpu.memory_space<semaphore_mem>>)
    %dma_start3A_26 = arith.constant 2 : i32
    %dma_start3A_27 = arith.constant 2 : i32
    %dma_start3A_28 = arith.constant 0 : i32
    %dma_start3A_29 = arith.constant 0 : i32
    %dma_start3A_30 = tpu.memref_slice %arg6[%dma_start3A_27, %dma_start3A_28, %dma_start3A_29] : memref<8x50x64xf32, #tpu.memory_space<vmem>> -> memref<1x50x64xf32, #tpu.memory_space<vmem>>
    %dma_start3A_31 = tpu.memref_squeeze %dma_start3A_30 : memref<1x50x64xf32, #tpu.memory_space<vmem>> -> memref<50x64xf32, #tpu.memory_space<vmem>>
    %dma_start3A_32 = arith.constant 0 : i32
    %dma_start3A_33 = tpu.memref_slice %arg5[%dma_start3A_26, %dma_start3A_32] : memref<512x50xi32, #tpu.memory_space<vmem>> -> memref<1x50xi32, #tpu.memory_space<vmem>>
    %dma_start3A_34 = tpu.memref_squeeze %dma_start3A_33 : memref<1x50xi32, #tpu.memory_space<vmem>> -> memref<50xi32, #tpu.memory_space<vmem>>
    %dma_start3A_35 = arith.constant 0 : i32
    %dma_start3A_36 = arith.constant 0 : i32
    %dma_start3A_37 = tpu.memref_slice %arg3[%dma_start3A_35, %dma_start3A_36] : memref<1000002x64xf32, #tpu.memory_space<hbm>> -> memref<1000002x64xf32, #tpu.memory_space<hbm>>
    tpu.enqueue_indirect_dma source(%dma_start3A_37 : memref<1000002x64xf32, #tpu.memory_space<hbm>>) target(%dma_start3A_31 : memref<50x64xf32, #tpu.memory_space<vmem>>) offsets(%dma_start3A_34 : memref<50xi32, #tpu.memory_space<vmem>>) semaphore(%arg8 : memref<!tpu.dma_semaphore, #tpu.memory_space<semaphore_mem>>)
    %dma_start3A_38 = arith.constant 3 : i32
    %dma_start3A_39 = arith.constant 3 : i32
    %dma_start3A_40 = arith.constant 0 : i32
    %dma_start3A_41 = arith.constant 0 : i32
    %dma_start3A_42 = tpu.memref_slice %arg6[%dma_start3A_39, %dma_start3A_40, %dma_start3A_41] : memref<8x50x64xf32, #tpu.memory_space<vmem>> -> memref<1x50x64xf32, #tpu.memory_space<vmem>>
    %dma_start3A_43 = tpu.memref_squeeze %dma_start3A_42 : memref<1x50x64xf32, #tpu.memory_space<vmem>> -> memref<50x64xf32, #tpu.memory_space<vmem>>
    %dma_start3A_44 = arith.constant 0 : i32
    %dma_start3A_45 = tpu.memref_slice %arg5[%dma_start3A_38, %dma_start3A_44] : memref<512x50xi32, #tpu.memory_space<vmem>> -> memref<1x50xi32, #tpu.memory_space<vmem>>
    %dma_start3A_46 = tpu.memref_squeeze %dma_start3A_45 : memref<1x50xi32, #tpu.memory_space<vmem>> -> memref<50xi32, #tpu.memory_space<vmem>>
    %dma_start3A_47 = arith.constant 0 : i32
    %dma_start3A_48 = arith.constant 0 : i32
    %dma_start3A_49 = tpu.memref_slice %arg3[%dma_start3A_47, %dma_start3A_48] : memref<1000002x64xf32, #tpu.memory_space<hbm>> -> memref<1000002x64xf32, #tpu.memory_space<hbm>>
    tpu.enqueue_indirect_dma source(%dma_start3A_49 : memref<1000002x64xf32, #tpu.memory_space<hbm>>) target(%dma_start3A_43 : memref<50x64xf32, #tpu.memory_space<vmem>>) offsets(%dma_start3A_46 : memref<50xi32, #tpu.memory_space<vmem>>) semaphore(%arg8 : memref<!tpu.dma_semaphore, #tpu.memory_space<semaphore_mem>>)
    %dma_start3A_50 = arith.constant 4 : i32
    %dma_start3A_51 = arith.constant 4 : i32
    %dma_start3A_52 = arith.constant 0 : i32
    %dma_start3A_53 = arith.constant 0 : i32
    %dma_start3A_54 = tpu.memref_slice %arg6[%dma_start3A_51, %dma_start3A_52, %dma_start3A_53] : memref<8x50x64xf32, #tpu.memory_space<vmem>> -> memref<1x50x64xf32, #tpu.memory_space<vmem>>
    %dma_start3A_55 = tpu.memref_squeeze %dma_start3A_54 : memref<1x50x64xf32, #tpu.memory_space<vmem>> -> memref<50x64xf32, #tpu.memory_space<vmem>>
    %dma_start3A_56 = arith.constant 0 : i32
    %dma_start3A_57 = tpu.memref_slice %arg5[%dma_start3A_50, %dma_start3A_56] : memref<512x50xi32, #tpu.memory_space<vmem>> -> memref<1x50xi32, #tpu.memory_space<vmem>>
    %dma_start3A_58 = tpu.memref_squeeze %dma_start3A_57 : memref<1x50xi32, #tpu.memory_space<vmem>> -> memref<50xi32, #tpu.memory_space<vmem>>
    %dma_start3A_59 = arith.constant 0 : i32
    %dma_start3A_60 = arith.constant 0 : i32
    %dma_start3A_61 = tpu.memref_slice %arg3[%dma_start3A_59, %dma_start3A_60] : memref<1000002x64xf32, #tpu.memory_space<hbm>> -> memref<1000002x64xf32, #tpu.memory_space<hbm>>
    tpu.enqueue_indirect_dma source(%dma_start3A_61 : memref<1000002x64xf32, #tpu.memory_space<hbm>>) target(%dma_start3A_55 : memref<50x64xf32, #tpu.memory_space<vmem>>) offsets(%dma_start3A_58 : memref<50xi32, #tpu.memory_space<vmem>>) semaphore(%arg8 : memref<!tpu.dma_semaphore, #tpu.memory_space<semaphore_mem>>)
    %dma_start3A_62 = arith.constant 5 : i32
    %dma_start3A_63 = arith.constant 5 : i32
    %dma_start3A_64 = arith.constant 0 : i32
    %dma_start3A_65 = arith.constant 0 : i32
    %dma_start3A_66 = tpu.memref_slice %arg6[%dma_start3A_63, %dma_start3A_64, %dma_start3A_65] : memref<8x50x64xf32, #tpu.memory_space<vmem>> -> memref<1x50x64xf32, #tpu.memory_space<vmem>>
    %dma_start3A_67 = tpu.memref_squeeze %dma_start3A_66 : memref<1x50x64xf32, #tpu.memory_space<vmem>> -> memref<50x64xf32, #tpu.memory_space<vmem>>
    %dma_start3A_68 = arith.constant 0 : i32
    %dma_start3A_69 = tpu.memref_slice %arg5[%dma_start3A_62, %dma_start3A_68] : memref<512x50xi32, #tpu.memory_space<vmem>> -> memref<1x50xi32, #tpu.memory_space<vmem>>
    %dma_start3A_70 = tpu.memref_squeeze %dma_start3A_69 : memref<1x50xi32, #tpu.memory_space<vmem>> -> memref<50xi32, #tpu.memory_space<vmem>>
    %dma_start3A_71 = arith.constant 0 : i32
    %dma_start3A_72 = arith.constant 0 : i32
    %dma_start3A_73 = tpu.memref_slice %arg3[%dma_start3A_71, %dma_start3A_72] : memref<1000002x64xf32, #tpu.memory_space<hbm>> -> memref<1000002x64xf32, #tpu.memory_space<hbm>>
    tpu.enqueue_indirect_dma source(%dma_start3A_73 : memref<1000002x64xf32, #tpu.memory_space<hbm>>) target(%dma_start3A_67 : memref<50x64xf32, #tpu.memory_space<vmem>>) offsets(%dma_start3A_70 : memref<50xi32, #tpu.memory_space<vmem>>) semaphore(%arg8 : memref<!tpu.dma_semaphore, #tpu.memory_space<semaphore_mem>>)
    %dma_start3A_74 = arith.constant 6 : i32
    %dma_start3A_75 = arith.constant 6 : i32
    %dma_start3A_76 = arith.constant 0 : i32
    %dma_start3A_77 = arith.constant 0 : i32
    %dma_start3A_78 = tpu.memref_slice %arg6[%dma_start3A_75, %dma_start3A_76, %dma_start3A_77] : memref<8x50x64xf32, #tpu.memory_space<vmem>> -> memref<1x50x64xf32, #tpu.memory_space<vmem>>
    %dma_start3A_79 = tpu.memref_squeeze %dma_start3A_78 : memref<1x50x64xf32, #tpu.memory_space<vmem>> -> memref<50x64xf32, #tpu.memory_space<vmem>>
    %dma_start3A_80 = arith.constant 0 : i32
    %dma_start3A_81 = tpu.memref_slice %arg5[%dma_start3A_74, %dma_start3A_80] : memref<512x50xi32, #tpu.memory_space<vmem>> -> memref<1x50xi32, #tpu.memory_space<vmem>>
    %dma_start3A_82 = tpu.memref_squeeze %dma_start3A_81 : memref<1x50xi32, #tpu.memory_space<vmem>> -> memref<50xi32, #tpu.memory_space<vmem>>
    %dma_start3A_83 = arith.constant 0 : i32
    %dma_start3A_84 = arith.constant 0 : i32
    %dma_start3A_85 = tpu.memref_slice %arg3[%dma_start3A_83, %dma_start3A_84] : memref<1000002x64xf32, #tpu.memory_space<hbm>> -> memref<1000002x64xf32, #tpu.memory_space<hbm>>
    tpu.enqueue_indirect_dma source(%dma_start3A_85 : memref<1000002x64xf32, #tpu.memory_space<hbm>>) target(%dma_start3A_79 : memref<50x64xf32, #tpu.memory_space<vmem>>) offsets(%dma_start3A_82 : memref<50xi32, #tpu.memory_space<vmem>>) semaphore(%arg8 : memref<!tpu.dma_semaphore, #tpu.memory_space<semaphore_mem>>)
    %dma_start3A_86 = arith.constant 7 : i32
    %dma_start3A_87 = arith.constant 7 : i32
    %dma_start3A_88 = arith.constant 0 : i32
    %dma_start3A_89 = arith.constant 0 : i32
    %dma_start3A_90 = tpu.memref_slice %arg6[%dma_start3A_87, %dma_start3A_88, %dma_start3A_89] : memref<8x50x64xf32, #tpu.memory_space<vmem>> -> memref<1x50x64xf32, #tpu.memory_space<vmem>>
    %dma_start3A_91 = tpu.memref_squeeze %dma_start3A_90 : memref<1x50x64xf32, #tpu.memory_space<vmem>> -> memref<50x64xf32, #tpu.memory_space<vmem>>
    %dma_start3A_92 = arith.constant 0 : i32
    %dma_start3A_93 = tpu.memref_slice %arg5[%dma_start3A_86, %dma_start3A_92] : memref<512x50xi32, #tpu.memory_space<vmem>> -> memref<1x50xi32, #tpu.memory_space<vmem>>
    %dma_start3A_94 = tpu.memref_squeeze %dma_start3A_93 : memref<1x50xi32, #tpu.memory_space<vmem>> -> memref<50xi32, #tpu.memory_space<vmem>>
    %dma_start3A_95 = arith.constant 0 : i32
    %dma_start3A_96 = arith.constant 0 : i32
    %dma_start3A_97 = tpu.memref_slice %arg3[%dma_start3A_95, %dma_start3A_96] : memref<1000002x64xf32, #tpu.memory_space<hbm>> -> memref<1000002x64xf32, #tpu.memory_space<hbm>>
    tpu.enqueue_indirect_dma source(%dma_start3A_97 : memref<1000002x64xf32, #tpu.memory_space<hbm>>) target(%dma_start3A_91 : memref<50x64xf32, #tpu.memory_space<vmem>>) offsets(%dma_start3A_94 : memref<50xi32, #tpu.memory_space<vmem>>) semaphore(%arg8 : memref<!tpu.dma_semaphore, #tpu.memory_space<semaphore_mem>>)
    %scan3A = arith.constant 0 : i32
    %scan3A_98 = arith.constant 32 : i32
    %scan3A_99 = arith.addi %scan3A, %scan3A_98 : i32
    %scan3A_100 = arith.constant 1 : i32
    scf.for %scan3A_109 = %scan3A to %scan3A_99 step %scan3A_100  : i32 {
      %mul3A_110 = arith.constant 2 : i32
      %mul3A_111 = arith.muli %scan3A_109, %mul3A_110 : i32
      %add3A_112 = arith.constant 0 : i32
      %add3A_113 = arith.addi %add3A_112, %mul3A_111 : i32
      %add3A_114 = arith.constant 0 : i32
      %add3A_115 = arith.addi %add3A_113, %add3A_114 : i32
      %gt3A = arith.constant 0 : i32
      %gt3A_116 = arith.cmpi sgt, %add3A_115, %gt3A : i32
      %convert_element_type3A = arith.extui %gt3A_116 : i1 to i32
      %cond3A = arith.constant 0 : i32
      %cond3A_117 = arith.cmpi ne, %convert_element_type3A, %cond3A : i32
      scf.if %cond3A_117 {
        %dma_wait3A_172 = arith.constant 0 : i32
        %dma_wait3A_173 = arith.constant 0 : i32
        %dma_wait3A_174 = arith.constant 0 : i32
        %dma_wait3A_175 = tpu.memref_slice %arg4[%dma_wait3A_172, %dma_wait3A_173, %dma_wait3A_174] : memref<16384x50x64xf32, #tpu.memory_space<hbm>> -> memref<8x50x64xf32, #tpu.memory_space<hbm>>
        %dma_wait3A_176 = arith.constant 0 : i32
        %dma_wait3A_177 = arith.constant 0 : i32
        %dma_wait3A_178 = arith.constant 0 : i32
        %dma_wait3A_179 = tpu.memref_slice %arg4[%dma_wait3A_176, %dma_wait3A_177, %dma_wait3A_178] : memref<16384x50x64xf32, #tpu.memory_space<hbm>> -> memref<8x50x64xf32, #tpu.memory_space<hbm>>
        tpu.wait_dma2 semaphore(%arg11 : memref<!tpu.dma_semaphore, #tpu.memory_space<semaphore_mem>>) src(%arg7 : memref<8x50x64xf32, #tpu.memory_space<vmem>>) dst(%dma_wait3A_179 : memref<8x50x64xf32, #tpu.memory_space<hbm>>)
      } else {
      }
      %add3A_118 = arith.constant 1 : i32
      %add3A_119 = arith.addi %add3A_115, %add3A_118 : i32
      %lt3A = arith.constant 64 : i32
      %lt3A_120 = arith.cmpi slt, %add3A_119, %lt3A : i32
      %convert_element_type3A_121 = arith.extui %lt3A_120 : i1 to i32
      %cond3A_122 = arith.constant 0 : i32
      %cond3A_123 = arith.cmpi ne, %convert_element_type3A_121, %cond3A_122 : i32
      scf.if %cond3A_123 {
        %add3A_172 = arith.constant 1 : i32
        %add3A_173 = arith.addi %add3A_115, %add3A_172 : i32
        %mul3A_174 = arith.constant 8 : i32
        %mul3A_175 = arith.muli %add3A_173, %mul3A_174 : i32
        %add3A_176 = arith.constant 0 : i32
        %add3A_177 = arith.addi %mul3A_175, %add3A_176 : i32
        %dma_start3A_178 = arith.constant 0 : i32
        %dma_start3A_179 = arith.constant 0 : i32
        %dma_start3A_180 = arith.constant 0 : i32
        %dma_start3A_181 = tpu.memref_slice %arg7[%dma_start3A_178, %dma_start3A_179, %dma_start3A_180] : memref<8x50x64xf32, #tpu.memory_space<vmem>> -> memref<1x50x64xf32, #tpu.memory_space<vmem>>
        %dma_start3A_182 = tpu.memref_squeeze %dma_start3A_181 : memref<1x50x64xf32, #tpu.memory_space<vmem>> -> memref<50x64xf32, #tpu.memory_space<vmem>>
        %dma_start3A_183 = arith.constant 0 : i32
        %dma_start3A_184 = tpu.memref_slice %arg5[%add3A_177, %dma_start3A_183] : memref<512x50xi32, #tpu.memory_space<vmem>> -> memref<1x50xi32, #tpu.memory_space<vmem>>
        %dma_start3A_185 = tpu.memref_squeeze %dma_start3A_184 : memref<1x50xi32, #tpu.memory_space<vmem>> -> memref<50xi32, #tpu.memory_space<vmem>>
        %dma_start3A_186 = arith.constant 0 : i32
        %dma_start3A_187 = arith.constant 0 : i32
        %dma_start3A_188 = tpu.memref_slice %arg3[%dma_start3A_186, %dma_start3A_187] : memref<1000002x64xf32, #tpu.memory_space<hbm>> -> memref<1000002x64xf32, #tpu.memory_space<hbm>>
        tpu.enqueue_indirect_dma source(%dma_start3A_188 : memref<1000002x64xf32, #tpu.memory_space<hbm>>) target(%dma_start3A_182 : memref<50x64xf32, #tpu.memory_space<vmem>>) offsets(%dma_start3A_185 : memref<50xi32, #tpu.memory_space<vmem>>) semaphore(%arg9 : memref<!tpu.dma_semaphore, #tpu.memory_space<semaphore_mem>>)
        %mul3A_189 = arith.constant 8 : i32
        %mul3A_190 = arith.muli %add3A_173, %mul3A_189 : i32
        %add3A_191 = arith.constant 1 : i32
        %add3A_192 = arith.addi %mul3A_190, %add3A_191 : i32
        %dma_start3A_193 = arith.constant 1 : i32
        %dma_start3A_194 = arith.constant 0 : i32
        %dma_start3A_195 = arith.constant 0 : i32
        %dma_start3A_196 = tpu.memref_slice %arg7[%dma_start3A_193, %dma_start3A_194, %dma_start3A_195] : memref<8x50x64xf32, #tpu.memory_space<vmem>> -> memref<1x50x64xf32, #tpu.memory_space<vmem>>
        %dma_start3A_197 = tpu.memref_squeeze %dma_start3A_196 : memref<1x50x64xf32, #tpu.memory_space<vmem>> -> memref<50x64xf32, #tpu.memory_space<vmem>>
        %dma_start3A_198 = arith.constant 0 : i32
        %dma_start3A_199 = tpu.memref_slice %arg5[%add3A_192, %dma_start3A_198] : memref<512x50xi32, #tpu.memory_space<vmem>> -> memref<1x50xi32, #tpu.memory_space<vmem>>
        %dma_start3A_200 = tpu.memref_squeeze %dma_start3A_199 : memref<1x50xi32, #tpu.memory_space<vmem>> -> memref<50xi32, #tpu.memory_space<vmem>>
        %dma_start3A_201 = arith.constant 0 : i32
        %dma_start3A_202 = arith.constant 0 : i32
        %dma_start3A_203 = tpu.memref_slice %arg3[%dma_start3A_201, %dma_start3A_202] : memref<1000002x64xf32, #tpu.memory_space<hbm>> -> memref<1000002x64xf32, #tpu.memory_space<hbm>>
        tpu.enqueue_indirect_dma source(%dma_start3A_203 : memref<1000002x64xf32, #tpu.memory_space<hbm>>) target(%dma_start3A_197 : memref<50x64xf32, #tpu.memory_space<vmem>>) offsets(%dma_start3A_200 : memref<50xi32, #tpu.memory_space<vmem>>) semaphore(%arg9 : memref<!tpu.dma_semaphore, #tpu.memory_space<semaphore_mem>>)
        %mul3A_204 = arith.constant 8 : i32
        %mul3A_205 = arith.muli %add3A_173, %mul3A_204 : i32
        %add3A_206 = arith.constant 2 : i32
        %add3A_207 = arith.addi %mul3A_205, %add3A_206 : i32
        %dma_start3A_208 = arith.constant 2 : i32
        %dma_start3A_209 = arith.constant 0 : i32
        %dma_start3A_210 = arith.constant 0 : i32
        %dma_start3A_211 = tpu.memref_slice %arg7[%dma_start3A_208, %dma_start3A_209, %dma_start3A_210] : memref<8x50x64xf32, #tpu.memory_space<vmem>> -> memref<1x50x64xf32, #tpu.memory_space<vmem>>
        %dma_start3A_212 = tpu.memref_squeeze %dma_start3A_211 : memref<1x50x64xf32, #tpu.memory_space<vmem>> -> memref<50x64xf32, #tpu.memory_space<vmem>>
        %dma_start3A_213 = arith.constant 0 : i32
        %dma_start3A_214 = tpu.memref_slice %arg5[%add3A_207, %dma_start3A_213] : memref<512x50xi32, #tpu.memory_space<vmem>> -> memref<1x50xi32, #tpu.memory_space<vmem>>
        %dma_start3A_215 = tpu.memref_squeeze %dma_start3A_214 : memref<1x50xi32, #tpu.memory_space<vmem>> -> memref<50xi32, #tpu.memory_space<vmem>>
        %dma_start3A_216 = arith.constant 0 : i32
        %dma_start3A_217 = arith.constant 0 : i32
        %dma_start3A_218 = tpu.memref_slice %arg3[%dma_start3A_216, %dma_start3A_217] : memref<1000002x64xf32, #tpu.memory_space<hbm>> -> memref<1000002x64xf32, #tpu.memory_space<hbm>>
        tpu.enqueue_indirect_dma source(%dma_start3A_218 : memref<1000002x64xf32, #tpu.memory_space<hbm>>) target(%dma_start3A_212 : memref<50x64xf32, #tpu.memory_space<vmem>>) offsets(%dma_start3A_215 : memref<50xi32, #tpu.memory_space<vmem>>) semaphore(%arg9 : memref<!tpu.dma_semaphore, #tpu.memory_space<semaphore_mem>>)
        %mul3A_219 = arith.constant 8 : i32
        %mul3A_220 = arith.muli %add3A_173, %mul3A_219 : i32
        %add3A_221 = arith.constant 3 : i32
        %add3A_222 = arith.addi %mul3A_220, %add3A_221 : i32
        %dma_start3A_223 = arith.constant 3 : i32
        %dma_start3A_224 = arith.constant 0 : i32
        %dma_start3A_225 = arith.constant 0 : i32
        %dma_start3A_226 = tpu.memref_slice %arg7[%dma_start3A_223, %dma_start3A_224, %dma_start3A_225] : memref<8x50x64xf32, #tpu.memory_space<vmem>> -> memref<1x50x64xf32, #tpu.memory_space<vmem>>
        %dma_start3A_227 = tpu.memref_squeeze %dma_start3A_226 : memref<1x50x64xf32, #tpu.memory_space<vmem>> -> memref<50x64xf32, #tpu.memory_space<vmem>>
        %dma_start3A_228 = arith.constant 0 : i32
        %dma_start3A_229 = tpu.memref_slice %arg5[%add3A_222, %dma_start3A_228] : memref<512x50xi32, #tpu.memory_space<vmem>> -> memref<1x50xi32, #tpu.memory_space<vmem>>
        %dma_start3A_230 = tpu.memref_squeeze %dma_start3A_229 : memref<1x50xi32, #tpu.memory_space<vmem>> -> memref<50xi32, #tpu.memory_space<vmem>>
        %dma_start3A_231 = arith.constant 0 : i32
        %dma_start3A_232 = arith.constant 0 : i32
        %dma_start3A_233 = tpu.memref_slice %arg3[%dma_start3A_231, %dma_start3A_232] : memref<1000002x64xf32, #tpu.memory_space<hbm>> -> memref<1000002x64xf32, #tpu.memory_space<hbm>>
        tpu.enqueue_indirect_dma source(%dma_start3A_233 : memref<1000002x64xf32, #tpu.memory_space<hbm>>) target(%dma_start3A_227 : memref<50x64xf32, #tpu.memory_space<vmem>>) offsets(%dma_start3A_230 : memref<50xi32, #tpu.memory_space<vmem>>) semaphore(%arg9 : memref<!tpu.dma_semaphore, #tpu.memory_space<semaphore_mem>>)
        %mul3A_234 = arith.constant 8 : i32
        %mul3A_235 = arith.muli %add3A_173, %mul3A_234 : i32
        %add3A_236 = arith.constant 4 : i32
        %add3A_237 = arith.addi %mul3A_235, %add3A_236 : i32
        %dma_start3A_238 = arith.constant 4 : i32
        %dma_start3A_239 = arith.constant 0 : i32
        %dma_start3A_240 = arith.constant 0 : i32
        %dma_start3A_241 = tpu.memref_slice %arg7[%dma_start3A_238, %dma_start3A_239, %dma_start3A_240] : memref<8x50x64xf32, #tpu.memory_space<vmem>> -> memref<1x50x64xf32, #tpu.memory_space<vmem>>
        %dma_start3A_242 = tpu.memref_squeeze %dma_start3A_241 : memref<1x50x64xf32, #tpu.memory_space<vmem>> -> memref<50x64xf32, #tpu.memory_space<vmem>>
        %dma_start3A_243 = arith.constant 0 : i32
        %dma_start3A_244 = tpu.memref_slice %arg5[%add3A_237, %dma_start3A_243] : memref<512x50xi32, #tpu.memory_space<vmem>> -> memref<1x50xi32, #tpu.memory_space<vmem>>
        %dma_start3A_245 = tpu.memref_squeeze %dma_start3A_244 : memref<1x50xi32, #tpu.memory_space<vmem>> -> memref<50xi32, #tpu.memory_space<vmem>>
        %dma_start3A_246 = arith.constant 0 : i32
        %dma_start3A_247 = arith.constant 0 : i32
        %dma_start3A_248 = tpu.memref_slice %arg3[%dma_start3A_246, %dma_start3A_247] : memref<1000002x64xf32, #tpu.memory_space<hbm>> -> memref<1000002x64xf32, #tpu.memory_space<hbm>>
        tpu.enqueue_indirect_dma source(%dma_start3A_248 : memref<1000002x64xf32, #tpu.memory_space<hbm>>) target(%dma_start3A_242 : memref<50x64xf32, #tpu.memory_space<vmem>>) offsets(%dma_start3A_245 : memref<50xi32, #tpu.memory_space<vmem>>) semaphore(%arg9 : memref<!tpu.dma_semaphore, #tpu.memory_space<semaphore_mem>>)
        %mul3A_249 = arith.constant 8 : i32
        %mul3A_250 = arith.muli %add3A_173, %mul3A_249 : i32
        %add3A_251 = arith.constant 5 : i32
        %add3A_252 = arith.addi %mul3A_250, %add3A_251 : i32
        %dma_start3A_253 = arith.constant 5 : i32
        %dma_start3A_254 = arith.constant 0 : i32
        %dma_start3A_255 = arith.constant 0 : i32
        %dma_start3A_256 = tpu.memref_slice %arg7[%dma_start3A_253, %dma_start3A_254, %dma_start3A_255] : memref<8x50x64xf32, #tpu.memory_space<vmem>> -> memref<1x50x64xf32, #tpu.memory_space<vmem>>
        %dma_start3A_257 = tpu.memref_squeeze %dma_start3A_256 : memref<1x50x64xf32, #tpu.memory_space<vmem>> -> memref<50x64xf32, #tpu.memory_space<vmem>>
        %dma_start3A_258 = arith.constant 0 : i32
        %dma_start3A_259 = tpu.memref_slice %arg5[%add3A_252, %dma_start3A_258] : memref<512x50xi32, #tpu.memory_space<vmem>> -> memref<1x50xi32, #tpu.memory_space<vmem>>
        %dma_start3A_260 = tpu.memref_squeeze %dma_start3A_259 : memref<1x50xi32, #tpu.memory_space<vmem>> -> memref<50xi32, #tpu.memory_space<vmem>>
        %dma_start3A_261 = arith.constant 0 : i32
        %dma_start3A_262 = arith.constant 0 : i32
        %dma_start3A_263 = tpu.memref_slice %arg3[%dma_start3A_261, %dma_start3A_262] : memref<1000002x64xf32, #tpu.memory_space<hbm>> -> memref<1000002x64xf32, #tpu.memory_space<hbm>>
        tpu.enqueue_indirect_dma source(%dma_start3A_263 : memref<1000002x64xf32, #tpu.memory_space<hbm>>) target(%dma_start3A_257 : memref<50x64xf32, #tpu.memory_space<vmem>>) offsets(%dma_start3A_260 : memref<50xi32, #tpu.memory_space<vmem>>) semaphore(%arg9 : memref<!tpu.dma_semaphore, #tpu.memory_space<semaphore_mem>>)
        %mul3A_264 = arith.constant 8 : i32
        %mul3A_265 = arith.muli %add3A_173, %mul3A_264 : i32
        %add3A_266 = arith.constant 6 : i32
        %add3A_267 = arith.addi %mul3A_265, %add3A_266 : i32
        %dma_start3A_268 = arith.constant 6 : i32
        %dma_start3A_269 = arith.constant 0 : i32
        %dma_start3A_270 = arith.constant 0 : i32
        %dma_start3A_271 = tpu.memref_slice %arg7[%dma_start3A_268, %dma_start3A_269, %dma_start3A_270] : memref<8x50x64xf32, #tpu.memory_space<vmem>> -> memref<1x50x64xf32, #tpu.memory_space<vmem>>
        %dma_start3A_272 = tpu.memref_squeeze %dma_start3A_271 : memref<1x50x64xf32, #tpu.memory_space<vmem>> -> memref<50x64xf32, #tpu.memory_space<vmem>>
        %dma_start3A_273 = arith.constant 0 : i32
        %dma_start3A_274 = tpu.memref_slice %arg5[%add3A_267, %dma_start3A_273] : memref<512x50xi32, #tpu.memory_space<vmem>> -> memref<1x50xi32, #tpu.memory_space<vmem>>
        %dma_start3A_275 = tpu.memref_squeeze %dma_start3A_274 : memref<1x50xi32, #tpu.memory_space<vmem>> -> memref<50xi32, #tpu.memory_space<vmem>>
        %dma_start3A_276 = arith.constant 0 : i32
        %dma_start3A_277 = arith.constant 0 : i32
        %dma_start3A_278 = tpu.memref_slice %arg3[%dma_start3A_276, %dma_start3A_277] : memref<1000002x64xf32, #tpu.memory_space<hbm>> -> memref<1000002x64xf32, #tpu.memory_space<hbm>>
        tpu.enqueue_indirect_dma source(%dma_start3A_278 : memref<1000002x64xf32, #tpu.memory_space<hbm>>) target(%dma_start3A_272 : memref<50x64xf32, #tpu.memory_space<vmem>>) offsets(%dma_start3A_275 : memref<50xi32, #tpu.memory_space<vmem>>) semaphore(%arg9 : memref<!tpu.dma_semaphore, #tpu.memory_space<semaphore_mem>>)
        %mul3A_279 = arith.constant 8 : i32
        %mul3A_280 = arith.muli %add3A_173, %mul3A_279 : i32
        %add3A_281 = arith.constant 7 : i32
        %add3A_282 = arith.addi %mul3A_280, %add3A_281 : i32
        %dma_start3A_283 = arith.constant 7 : i32
        %dma_start3A_284 = arith.constant 0 : i32
        %dma_start3A_285 = arith.constant 0 : i32
        %dma_start3A_286 = tpu.memref_slice %arg7[%dma_start3A_283, %dma_start3A_284, %dma_start3A_285] : memref<8x50x64xf32, #tpu.memory_space<vmem>> -> memref<1x50x64xf32, #tpu.memory_space<vmem>>
        %dma_start3A_287 = tpu.memref_squeeze %dma_start3A_286 : memref<1x50x64xf32, #tpu.memory_space<vmem>> -> memref<50x64xf32, #tpu.memory_space<vmem>>
        %dma_start3A_288 = arith.constant 0 : i32
        %dma_start3A_289 = tpu.memref_slice %arg5[%add3A_282, %dma_start3A_288] : memref<512x50xi32, #tpu.memory_space<vmem>> -> memref<1x50xi32, #tpu.memory_space<vmem>>
        %dma_start3A_290 = tpu.memref_squeeze %dma_start3A_289 : memref<1x50xi32, #tpu.memory_space<vmem>> -> memref<50xi32, #tpu.memory_space<vmem>>
        %dma_start3A_291 = arith.constant 0 : i32
        %dma_start3A_292 = arith.constant 0 : i32
        %dma_start3A_293 = tpu.memref_slice %arg3[%dma_start3A_291, %dma_start3A_292] : memref<1000002x64xf32, #tpu.memory_space<hbm>> -> memref<1000002x64xf32, #tpu.memory_space<hbm>>
        tpu.enqueue_indirect_dma source(%dma_start3A_293 : memref<1000002x64xf32, #tpu.memory_space<hbm>>) target(%dma_start3A_287 : memref<50x64xf32, #tpu.memory_space<vmem>>) offsets(%dma_start3A_290 : memref<50xi32, #tpu.memory_space<vmem>>) semaphore(%arg9 : memref<!tpu.dma_semaphore, #tpu.memory_space<semaphore_mem>>)
      } else {
      }
      %dma_wait3A_124 = arith.constant 0 : i32
      %dma_wait3A_125 = arith.constant 0 : i32
      %dma_wait3A_126 = arith.constant 0 : i32
      %dma_wait3A_127 = tpu.memref_slice %arg4[%dma_wait3A_124, %dma_wait3A_125, %dma_wait3A_126] : memref<16384x50x64xf32, #tpu.memory_space<hbm>> -> memref<8x50x64xf32, #tpu.memory_space<hbm>>
      %dma_wait3A_128 = arith.constant 0 : i32
      %dma_wait3A_129 = arith.constant 0 : i32
      %dma_wait3A_130 = arith.constant 0 : i32
      %dma_wait3A_131 = tpu.memref_slice %arg4[%dma_wait3A_128, %dma_wait3A_129, %dma_wait3A_130] : memref<16384x50x64xf32, #tpu.memory_space<hbm>> -> memref<8x50x64xf32, #tpu.memory_space<hbm>>
      tpu.wait_dma2 semaphore(%arg8 : memref<!tpu.dma_semaphore, #tpu.memory_space<semaphore_mem>>) src(%dma_wait3A_131 : memref<8x50x64xf32, #tpu.memory_space<hbm>>) dst(%arg6 : memref<8x50x64xf32, #tpu.memory_space<vmem>>)
      %mul3A_132 = arith.constant 8 : i32
      %mul3A_133 = arith.muli %add3A_115, %mul3A_132 : i32
      %add3A_134 = arith.addi %mul3A_2, %mul3A_133 : i32
      %dma_start3A_135 = arith.constant 0 : i32
      %dma_start3A_136 = arith.constant 0 : i32
      %dma_start3A_137 = tpu.memref_slice %arg4[%add3A_134, %dma_start3A_135, %dma_start3A_136] : memref<16384x50x64xf32, #tpu.memory_space<hbm>> -> memref<8x50x64xf32, #tpu.memory_space<hbm>>
      %dma_start3A_138 = arith.constant 0 : i32
      %dma_start3A_139 = arith.constant 0 : i32
      %dma_start3A_140 = tpu.memref_slice %arg4[%add3A_134, %dma_start3A_138, %dma_start3A_139] : memref<16384x50x64xf32, #tpu.memory_space<hbm>> -> memref<8x50x64xf32, #tpu.memory_space<hbm>>
      tpu.enqueue_dma source(%arg6 : memref<8x50x64xf32, #tpu.memory_space<vmem>>) target(%dma_start3A_140 : memref<8x50x64xf32, #tpu.memory_space<hbm>>) target_semaphore(%arg10 : memref<!tpu.dma_semaphore, #tpu.memory_space<semaphore_mem>>)
      %add3A_141 = arith.constant 1 : i32
      %add3A_142 = arith.addi %add3A_113, %add3A_141 : i32
      %gt3A_143 = arith.constant 0 : i32
      %gt3A_144 = arith.cmpi sgt, %add3A_142, %gt3A_143 : i32
      %convert_element_type3A_145 = arith.extui %gt3A_144 : i1 to i32
      %cond3A_146 = arith.constant 0 : i32
      %cond3A_147 = arith.cmpi ne, %convert_element_type3A_145, %cond3A_146 : i32
      scf.if %cond3A_147 {
        %dma_wait3A_172 = arith.constant 0 : i32
        %dma_wait3A_173 = arith.constant 0 : i32
        %dma_wait3A_174 = arith.constant 0 : i32
        %dma_wait3A_175 = tpu.memref_slice %arg4[%dma_wait3A_172, %dma_wait3A_173, %dma_wait3A_174] : memref<16384x50x64xf32, #tpu.memory_space<hbm>> -> memref<8x50x64xf32, #tpu.memory_space<hbm>>
        %dma_wait3A_176 = arith.constant 0 : i32
        %dma_wait3A_177 = arith.constant 0 : i32
        %dma_wait3A_178 = arith.constant 0 : i32
        %dma_wait3A_179 = tpu.memref_slice %arg4[%dma_wait3A_176, %dma_wait3A_177, %dma_wait3A_178] : memref<16384x50x64xf32, #tpu.memory_space<hbm>> -> memref<8x50x64xf32, #tpu.memory_space<hbm>>
        tpu.wait_dma2 semaphore(%arg10 : memref<!tpu.dma_semaphore, #tpu.memory_space<semaphore_mem>>) src(%arg6 : memref<8x50x64xf32, #tpu.memory_space<vmem>>) dst(%dma_wait3A_179 : memref<8x50x64xf32, #tpu.memory_space<hbm>>)
      } else {
      }
      %add3A_148 = arith.constant 1 : i32
      %add3A_149 = arith.addi %add3A_142, %add3A_148 : i32
      %lt3A_150 = arith.constant 64 : i32
      %lt3A_151 = arith.cmpi slt, %add3A_149, %lt3A_150 : i32
      %convert_element_type3A_152 = arith.extui %lt3A_151 : i1 to i32
      %cond3A_153 = arith.constant 0 : i32
      %cond3A_154 = arith.cmpi ne, %convert_element_type3A_152, %cond3A_153 : i32
      scf.if %cond3A_154 {
        %add3A_172 = arith.constant 1 : i32
        %add3A_173 = arith.addi %add3A_142, %add3A_172 : i32
        %mul3A_174 = arith.constant 8 : i32
        %mul3A_175 = arith.muli %add3A_173, %mul3A_174 : i32
        %add3A_176 = arith.constant 0 : i32
        %add3A_177 = arith.addi %mul3A_175, %add3A_176 : i32
        %dma_start3A_178 = arith.constant 0 : i32
        %dma_start3A_179 = arith.constant 0 : i32
        %dma_start3A_180 = arith.constant 0 : i32
        %dma_start3A_181 = tpu.memref_slice %arg6[%dma_start3A_178, %dma_start3A_179, %dma_start3A_180] : memref<8x50x64xf32, #tpu.memory_space<vmem>> -> memref<1x50x64xf32, #tpu.memory_space<vmem>>
        %dma_start3A_182 = tpu.memref_squeeze %dma_start3A_181 : memref<1x50x64xf32, #tpu.memory_space<vmem>> -> memref<50x64xf32, #tpu.memory_space<vmem>>
        %dma_start3A_183 = arith.constant 0 : i32
        %dma_start3A_184 = tpu.memref_slice %arg5[%add3A_177, %dma_start3A_183] : memref<512x50xi32, #tpu.memory_space<vmem>> -> memref<1x50xi32, #tpu.memory_space<vmem>>
        %dma_start3A_185 = tpu.memref_squeeze %dma_start3A_184 : memref<1x50xi32, #tpu.memory_space<vmem>> -> memref<50xi32, #tpu.memory_space<vmem>>
        %dma_start3A_186 = arith.constant 0 : i32
        %dma_start3A_187 = arith.constant 0 : i32
        %dma_start3A_188 = tpu.memref_slice %arg3[%dma_start3A_186, %dma_start3A_187] : memref<1000002x64xf32, #tpu.memory_space<hbm>> -> memref<1000002x64xf32, #tpu.memory_space<hbm>>
        tpu.enqueue_indirect_dma source(%dma_start3A_188 : memref<1000002x64xf32, #tpu.memory_space<hbm>>) target(%dma_start3A_182 : memref<50x64xf32, #tpu.memory_space<vmem>>) offsets(%dma_start3A_185 : memref<50xi32, #tpu.memory_space<vmem>>) semaphore(%arg8 : memref<!tpu.dma_semaphore, #tpu.memory_space<semaphore_mem>>)
        %mul3A_189 = arith.constant 8 : i32
        %mul3A_190 = arith.muli %add3A_173, %mul3A_189 : i32
        %add3A_191 = arith.constant 1 : i32
        %add3A_192 = arith.addi %mul3A_190, %add3A_191 : i32
        %dma_start3A_193 = arith.constant 1 : i32
        %dma_start3A_194 = arith.constant 0 : i32
        %dma_start3A_195 = arith.constant 0 : i32
        %dma_start3A_196 = tpu.memref_slice %arg6[%dma_start3A_193, %dma_start3A_194, %dma_start3A_195] : memref<8x50x64xf32, #tpu.memory_space<vmem>> -> memref<1x50x64xf32, #tpu.memory_space<vmem>>
        %dma_start3A_197 = tpu.memref_squeeze %dma_start3A_196 : memref<1x50x64xf32, #tpu.memory_space<vmem>> -> memref<50x64xf32, #tpu.memory_space<vmem>>
        %dma_start3A_198 = arith.constant 0 : i32
        %dma_start3A_199 = tpu.memref_slice %arg5[%add3A_192, %dma_start3A_198] : memref<512x50xi32, #tpu.memory_space<vmem>> -> memref<1x50xi32, #tpu.memory_space<vmem>>
        %dma_start3A_200 = tpu.memref_squeeze %dma_start3A_199 : memref<1x50xi32, #tpu.memory_space<vmem>> -> memref<50xi32, #tpu.memory_space<vmem>>
        %dma_start3A_201 = arith.constant 0 : i32
        %dma_start3A_202 = arith.constant 0 : i32
        %dma_start3A_203 = tpu.memref_slice %arg3[%dma_start3A_201, %dma_start3A_202] : memref<1000002x64xf32, #tpu.memory_space<hbm>> -> memref<1000002x64xf32, #tpu.memory_space<hbm>>
        tpu.enqueue_indirect_dma source(%dma_start3A_203 : memref<1000002x64xf32, #tpu.memory_space<hbm>>) target(%dma_start3A_197 : memref<50x64xf32, #tpu.memory_space<vmem>>) offsets(%dma_start3A_200 : memref<50xi32, #tpu.memory_space<vmem>>) semaphore(%arg8 : memref<!tpu.dma_semaphore, #tpu.memory_space<semaphore_mem>>)
        %mul3A_204 = arith.constant 8 : i32
        %mul3A_205 = arith.muli %add3A_173, %mul3A_204 : i32
        %add3A_206 = arith.constant 2 : i32
        %add3A_207 = arith.addi %mul3A_205, %add3A_206 : i32
        %dma_start3A_208 = arith.constant 2 : i32
        %dma_start3A_209 = arith.constant 0 : i32
        %dma_start3A_210 = arith.constant 0 : i32
        %dma_start3A_211 = tpu.memref_slice %arg6[%dma_start3A_208, %dma_start3A_209, %dma_start3A_210] : memref<8x50x64xf32, #tpu.memory_space<vmem>> -> memref<1x50x64xf32, #tpu.memory_space<vmem>>
        %dma_start3A_212 = tpu.memref_squeeze %dma_start3A_211 : memref<1x50x64xf32, #tpu.memory_space<vmem>> -> memref<50x64xf32, #tpu.memory_space<vmem>>
        %dma_start3A_213 = arith.constant 0 : i32
        %dma_start3A_214 = tpu.memref_slice %arg5[%add3A_207, %dma_start3A_213] : memref<512x50xi32, #tpu.memory_space<vmem>> -> memref<1x50xi32, #tpu.memory_space<vmem>>
        %dma_start3A_215 = tpu.memref_squeeze %dma_start3A_214 : memref<1x50xi32, #tpu.memory_space<vmem>> -> memref<50xi32, #tpu.memory_space<vmem>>
        %dma_start3A_216 = arith.constant 0 : i32
        %dma_start3A_217 = arith.constant 0 : i32
        %dma_start3A_218 = tpu.memref_slice %arg3[%dma_start3A_216, %dma_start3A_217] : memref<1000002x64xf32, #tpu.memory_space<hbm>> -> memref<1000002x64xf32, #tpu.memory_space<hbm>>
        tpu.enqueue_indirect_dma source(%dma_start3A_218 : memref<1000002x64xf32, #tpu.memory_space<hbm>>) target(%dma_start3A_212 : memref<50x64xf32, #tpu.memory_space<vmem>>) offsets(%dma_start3A_215 : memref<50xi32, #tpu.memory_space<vmem>>) semaphore(%arg8 : memref<!tpu.dma_semaphore, #tpu.memory_space<semaphore_mem>>)
        %mul3A_219 = arith.constant 8 : i32
        %mul3A_220 = arith.muli %add3A_173, %mul3A_219 : i32
        %add3A_221 = arith.constant 3 : i32
        %add3A_222 = arith.addi %mul3A_220, %add3A_221 : i32
        %dma_start3A_223 = arith.constant 3 : i32
        %dma_start3A_224 = arith.constant 0 : i32
        %dma_start3A_225 = arith.constant 0 : i32
        %dma_start3A_226 = tpu.memref_slice %arg6[%dma_start3A_223, %dma_start3A_224, %dma_start3A_225] : memref<8x50x64xf32, #tpu.memory_space<vmem>> -> memref<1x50x64xf32, #tpu.memory_space<vmem>>
        %dma_start3A_227 = tpu.memref_squeeze %dma_start3A_226 : memref<1x50x64xf32, #tpu.memory_space<vmem>> -> memref<50x64xf32, #tpu.memory_space<vmem>>
        %dma_start3A_228 = arith.constant 0 : i32
        %dma_start3A_229 = tpu.memref_slice %arg5[%add3A_222, %dma_start3A_228] : memref<512x50xi32, #tpu.memory_space<vmem>> -> memref<1x50xi32, #tpu.memory_space<vmem>>
        %dma_start3A_230 = tpu.memref_squeeze %dma_start3A_229 : memref<1x50xi32, #tpu.memory_space<vmem>> -> memref<50xi32, #tpu.memory_space<vmem>>
        %dma_start3A_231 = arith.constant 0 : i32
        %dma_start3A_232 = arith.constant 0 : i32
        %dma_start3A_233 = tpu.memref_slice %arg3[%dma_start3A_231, %dma_start3A_232] : memref<1000002x64xf32, #tpu.memory_space<hbm>> -> memref<1000002x64xf32, #tpu.memory_space<hbm>>
        tpu.enqueue_indirect_dma source(%dma_start3A_233 : memref<1000002x64xf32, #tpu.memory_space<hbm>>) target(%dma_start3A_227 : memref<50x64xf32, #tpu.memory_space<vmem>>) offsets(%dma_start3A_230 : memref<50xi32, #tpu.memory_space<vmem>>) semaphore(%arg8 : memref<!tpu.dma_semaphore, #tpu.memory_space<semaphore_mem>>)
        %mul3A_234 = arith.constant 8 : i32
        %mul3A_235 = arith.muli %add3A_173, %mul3A_234 : i32
        %add3A_236 = arith.constant 4 : i32
        %add3A_237 = arith.addi %mul3A_235, %add3A_236 : i32
        %dma_start3A_238 = arith.constant 4 : i32
        %dma_start3A_239 = arith.constant 0 : i32
        %dma_start3A_240 = arith.constant 0 : i32
        %dma_start3A_241 = tpu.memref_slice %arg6[%dma_start3A_238, %dma_start3A_239, %dma_start3A_240] : memref<8x50x64xf32, #tpu.memory_space<vmem>> -> memref<1x50x64xf32, #tpu.memory_space<vmem>>
        %dma_start3A_242 = tpu.memref_squeeze %dma_start3A_241 : memref<1x50x64xf32, #tpu.memory_space<vmem>> -> memref<50x64xf32, #tpu.memory_space<vmem>>
        %dma_start3A_243 = arith.constant 0 : i32
        %dma_start3A_244 = tpu.memref_slice %arg5[%add3A_237, %dma_start3A_243] : memref<512x50xi32, #tpu.memory_space<vmem>> -> memref<1x50xi32, #tpu.memory_space<vmem>>
        %dma_start3A_245 = tpu.memref_squeeze %dma_start3A_244 : memref<1x50xi32, #tpu.memory_space<vmem>> -> memref<50xi32, #tpu.memory_space<vmem>>
        %dma_start3A_246 = arith.constant 0 : i32
        %dma_start3A_247 = arith.constant 0 : i32
        %dma_start3A_248 = tpu.memref_slice %arg3[%dma_start3A_246, %dma_start3A_247] : memref<1000002x64xf32, #tpu.memory_space<hbm>> -> memref<1000002x64xf32, #tpu.memory_space<hbm>>
        tpu.enqueue_indirect_dma source(%dma_start3A_248 : memref<1000002x64xf32, #tpu.memory_space<hbm>>) target(%dma_start3A_242 : memref<50x64xf32, #tpu.memory_space<vmem>>) offsets(%dma_start3A_245 : memref<50xi32, #tpu.memory_space<vmem>>) semaphore(%arg8 : memref<!tpu.dma_semaphore, #tpu.memory_space<semaphore_mem>>)
        %mul3A_249 = arith.constant 8 : i32
        %mul3A_250 = arith.muli %add3A_173, %mul3A_249 : i32
        %add3A_251 = arith.constant 5 : i32
        %add3A_252 = arith.addi %mul3A_250, %add3A_251 : i32
        %dma_start3A_253 = arith.constant 5 : i32
        %dma_start3A_254 = arith.constant 0 : i32
        %dma_start3A_255 = arith.constant 0 : i32
        %dma_start3A_256 = tpu.memref_slice %arg6[%dma_start3A_253, %dma_start3A_254, %dma_start3A_255] : memref<8x50x64xf32, #tpu.memory_space<vmem>> -> memref<1x50x64xf32, #tpu.memory_space<vmem>>
        %dma_start3A_257 = tpu.memref_squeeze %dma_start3A_256 : memref<1x50x64xf32, #tpu.memory_space<vmem>> -> memref<50x64xf32, #tpu.memory_space<vmem>>
        %dma_start3A_258 = arith.constant 0 : i32
        %dma_start3A_259 = tpu.memref_slice %arg5[%add3A_252, %dma_start3A_258] : memref<512x50xi32, #tpu.memory_space<vmem>> -> memref<1x50xi32, #tpu.memory_space<vmem>>
        %dma_start3A_260 = tpu.memref_squeeze %dma_start3A_259 : memref<1x50xi32, #tpu.memory_space<vmem>> -> memref<50xi32, #tpu.memory_space<vmem>>
        %dma_start3A_261 = arith.constant 0 : i32
        %dma_start3A_262 = arith.constant 0 : i32
        %dma_start3A_263 = tpu.memref_slice %arg3[%dma_start3A_261, %dma_start3A_262] : memref<1000002x64xf32, #tpu.memory_space<hbm>> -> memref<1000002x64xf32, #tpu.memory_space<hbm>>
        tpu.enqueue_indirect_dma source(%dma_start3A_263 : memref<1000002x64xf32, #tpu.memory_space<hbm>>) target(%dma_start3A_257 : memref<50x64xf32, #tpu.memory_space<vmem>>) offsets(%dma_start3A_260 : memref<50xi32, #tpu.memory_space<vmem>>) semaphore(%arg8 : memref<!tpu.dma_semaphore, #tpu.memory_space<semaphore_mem>>)
        %mul3A_264 = arith.constant 8 : i32
        %mul3A_265 = arith.muli %add3A_173, %mul3A_264 : i32
        %add3A_266 = arith.constant 6 : i32
        %add3A_267 = arith.addi %mul3A_265, %add3A_266 : i32
        %dma_start3A_268 = arith.constant 6 : i32
        %dma_start3A_269 = arith.constant 0 : i32
        %dma_start3A_270 = arith.constant 0 : i32
        %dma_start3A_271 = tpu.memref_slice %arg6[%dma_start3A_268, %dma_start3A_269, %dma_start3A_270] : memref<8x50x64xf32, #tpu.memory_space<vmem>> -> memref<1x50x64xf32, #tpu.memory_space<vmem>>
        %dma_start3A_272 = tpu.memref_squeeze %dma_start3A_271 : memref<1x50x64xf32, #tpu.memory_space<vmem>> -> memref<50x64xf32, #tpu.memory_space<vmem>>
        %dma_start3A_273 = arith.constant 0 : i32
        %dma_start3A_274 = tpu.memref_slice %arg5[%add3A_267, %dma_start3A_273] : memref<512x50xi32, #tpu.memory_space<vmem>> -> memref<1x50xi32, #tpu.memory_space<vmem>>
        %dma_start3A_275 = tpu.memref_squeeze %dma_start3A_274 : memref<1x50xi32, #tpu.memory_space<vmem>> -> memref<50xi32, #tpu.memory_space<vmem>>
        %dma_start3A_276 = arith.constant 0 : i32
        %dma_start3A_277 = arith.constant 0 : i32
        %dma_start3A_278 = tpu.memref_slice %arg3[%dma_start3A_276, %dma_start3A_277] : memref<1000002x64xf32, #tpu.memory_space<hbm>> -> memref<1000002x64xf32, #tpu.memory_space<hbm>>
        tpu.enqueue_indirect_dma source(%dma_start3A_278 : memref<1000002x64xf32, #tpu.memory_space<hbm>>) target(%dma_start3A_272 : memref<50x64xf32, #tpu.memory_space<vmem>>) offsets(%dma_start3A_275 : memref<50xi32, #tpu.memory_space<vmem>>) semaphore(%arg8 : memref<!tpu.dma_semaphore, #tpu.memory_space<semaphore_mem>>)
        %mul3A_279 = arith.constant 8 : i32
        %mul3A_280 = arith.muli %add3A_173, %mul3A_279 : i32
        %add3A_281 = arith.constant 7 : i32
        %add3A_282 = arith.addi %mul3A_280, %add3A_281 : i32
        %dma_start3A_283 = arith.constant 7 : i32
        %dma_start3A_284 = arith.constant 0 : i32
        %dma_start3A_285 = arith.constant 0 : i32
        %dma_start3A_286 = tpu.memref_slice %arg6[%dma_start3A_283, %dma_start3A_284, %dma_start3A_285] : memref<8x50x64xf32, #tpu.memory_space<vmem>> -> memref<1x50x64xf32, #tpu.memory_space<vmem>>
        %dma_start3A_287 = tpu.memref_squeeze %dma_start3A_286 : memref<1x50x64xf32, #tpu.memory_space<vmem>> -> memref<50x64xf32, #tpu.memory_space<vmem>>
        %dma_start3A_288 = arith.constant 0 : i32
        %dma_start3A_289 = tpu.memref_slice %arg5[%add3A_282, %dma_start3A_288] : memref<512x50xi32, #tpu.memory_space<vmem>> -> memref<1x50xi32, #tpu.memory_space<vmem>>
        %dma_start3A_290 = tpu.memref_squeeze %dma_start3A_289 : memref<1x50xi32, #tpu.memory_space<vmem>> -> memref<50xi32, #tpu.memory_space<vmem>>
        %dma_start3A_291 = arith.constant 0 : i32
        %dma_start3A_292 = arith.constant 0 : i32
        %dma_start3A_293 = tpu.memref_slice %arg3[%dma_start3A_291, %dma_start3A_292] : memref<1000002x64xf32, #tpu.memory_space<hbm>> -> memref<1000002x64xf32, #tpu.memory_space<hbm>>
        tpu.enqueue_indirect_dma source(%dma_start3A_293 : memref<1000002x64xf32, #tpu.memory_space<hbm>>) target(%dma_start3A_287 : memref<50x64xf32, #tpu.memory_space<vmem>>) offsets(%dma_start3A_290 : memref<50xi32, #tpu.memory_space<vmem>>) semaphore(%arg8 : memref<!tpu.dma_semaphore, #tpu.memory_space<semaphore_mem>>)
      } else {
      }
      %dma_wait3A_155 = arith.constant 0 : i32
      %dma_wait3A_156 = arith.constant 0 : i32
      %dma_wait3A_157 = arith.constant 0 : i32
      %dma_wait3A_158 = tpu.memref_slice %arg4[%dma_wait3A_155, %dma_wait3A_156, %dma_wait3A_157] : memref<16384x50x64xf32, #tpu.memory_space<hbm>> -> memref<8x50x64xf32, #tpu.memory_space<hbm>>
      %dma_wait3A_159 = arith.constant 0 : i32
      %dma_wait3A_160 = arith.constant 0 : i32
      %dma_wait3A_161 = arith.constant 0 : i32
      %dma_wait3A_162 = tpu.memref_slice %arg4[%dma_wait3A_159, %dma_wait3A_160, %dma_wait3A_161] : memref<16384x50x64xf32, #tpu.memory_space<hbm>> -> memref<8x50x64xf32, #tpu.memory_space<hbm>>
      tpu.wait_dma2 semaphore(%arg9 : memref<!tpu.dma_semaphore, #tpu.memory_space<semaphore_mem>>) src(%dma_wait3A_162 : memref<8x50x64xf32, #tpu.memory_space<hbm>>) dst(%arg7 : memref<8x50x64xf32, #tpu.memory_space<vmem>>)
      %mul3A_163 = arith.constant 8 : i32
      %mul3A_164 = arith.muli %add3A_142, %mul3A_163 : i32
      %add3A_165 = arith.addi %mul3A_2, %mul3A_164 : i32
      %dma_start3A_166 = arith.constant 0 : i32
      %dma_start3A_167 = arith.constant 0 : i32
      %dma_start3A_168 = tpu.memref_slice %arg4[%add3A_165, %dma_start3A_166, %dma_start3A_167] : memref<16384x50x64xf32, #tpu.memory_space<hbm>> -> memref<8x50x64xf32, #tpu.memory_space<hbm>>
      %dma_start3A_169 = arith.constant 0 : i32
      %dma_start3A_170 = arith.constant 0 : i32
      %dma_start3A_171 = tpu.memref_slice %arg4[%add3A_165, %dma_start3A_169, %dma_start3A_170] : memref<16384x50x64xf32, #tpu.memory_space<hbm>> -> memref<8x50x64xf32, #tpu.memory_space<hbm>>
      tpu.enqueue_dma source(%arg7 : memref<8x50x64xf32, #tpu.memory_space<vmem>>) target(%dma_start3A_171 : memref<8x50x64xf32, #tpu.memory_space<hbm>>) target_semaphore(%arg11 : memref<!tpu.dma_semaphore, #tpu.memory_space<semaphore_mem>>)
    }
    %scan3A_101 = arith.constant 32 : i32
    %dma_wait3A = arith.constant 0 : i32
    %dma_wait3A_102 = arith.constant 0 : i32
    %dma_wait3A_103 = arith.constant 0 : i32
    %dma_wait3A_104 = tpu.memref_slice %arg4[%dma_wait3A, %dma_wait3A_102, %dma_wait3A_103] : memref<16384x50x64xf32, #tpu.memory_space<hbm>> -> memref<8x50x64xf32, #tpu.memory_space<hbm>>
    %dma_wait3A_105 = arith.constant 0 : i32
    %dma_wait3A_106 = arith.constant 0 : i32
    %dma_wait3A_107 = arith.constant 0 : i32
    %dma_wait3A_108 = tpu.memref_slice %arg4[%dma_wait3A_105, %dma_wait3A_106, %dma_wait3A_107] : memref<16384x50x64xf32, #tpu.memory_space<hbm>> -> memref<8x50x64xf32, #tpu.memory_space<hbm>>
    tpu.wait_dma2 semaphore(%arg11 : memref<!tpu.dma_semaphore, #tpu.memory_space<semaphore_mem>>) src(%arg7 : memref<8x50x64xf32, #tpu.memory_space<vmem>>) dst(%dma_wait3A_108 : memref<8x50x64xf32, #tpu.memory_space<hbm>>)
    return
  }
}

</mosaic_0001>

<sc_bundles>
// kernel: kernel.3.cloned.1.call-start
scs
__scs_entry_jumppad:
0x0: {  	(pc) =	sbr.rel $0x88, $3  }
0x1: {  	(tag) =	ssettag $0x0;
	lr =	simm.s32 $0x1  }
0x2: {  	[smem:$0x3F9F] =	sst lr;
	_ =	strace $0xD0000000  }
0x3: {  	_ = 	snop  }
0x4: {  	_ = 	snop  }
0x5: {  	_ = 	snop  }
0x6: {  	_ = 	snop  }
0x7: {  	_ = 	snop  }
__scs_overlays_trampoline_lowered:
0x8: {  	[smem:$0x3FAE] =	sst s0  }
0x9: {  	[smem:$0x3FAF] =	sst s1  }
0xa: {  	[smem:$0x3FB0] =	sst s2  }
0xb: {  	[smem:$0x3FB1] =	sst s3  }
0xc: {  	[smem:$0x3FB2] =	sst s4  }
0xd: {  	[smem:$0x3FB3] =	sst s5  }
0xe: {  	[smem:$0x3FB4] =	sst s6  }
0xf: {  	[smem:$0x3FB5] =	sst s7  }
0x10: {  	[smem:$0x3FB6] =	sst s8  }
0x11: {  	[smem:$0x3FB7] =	sst s9;
	s0 =	simm.s32 @!p0 $0x0  }
0x12: {  	s1 =	sld [smem:$0x3F9D];
	s0 =	simm.s32 @p0 $0x1  }
0x13: {  	[smem:$0x3FB8] =	sst s0;
	s0 =	simm.s32 @!p1 $0x0  }
0x14: {  	s2 =	sld [smem:$0x3F9C];
	s0 =	simm.s32 @p1 $0x1  }
0x15: {  	[smem:$0x3FB9] =	sst s0;
	s0 =	simm.s32 @!p2 $0x0  }
0x16: {  	s3 =	sld [smem:$0x3FDB];
	s0 =	simm.s32 @p2 $0x1  }
0x17: {  	s4 =	simm.s32 $0x1BF5;
	[smem:$0x3FBB] =	sst s0  }
0x18: {  	s0 =	sld [smem:$0x3F9E];
	_ =	swait.ge [sflag:s4], $0x0  }
0x19: {  	s7 =	sld [smem:$0x3F9F]  }
0x1a: {  	s8 =	sadd.s32 $0xFFFFE003, lr  }
0x1b: {  	s9 =	sadd.s32 $0xFFFFFEF7, lr;
	s5 =	simm.s32 $0xFFFFFFFF;
	p2 =	slt.u32 s8, $0xFFFFF086  }
0x1c: {  	p1 =	slt.u32 s9, $0xF7A;
	s5 =	simm.s32 @!p2 $0x0  }
0x1d: {  	s5 =	simm.s32 @p1 $0x1;
	p0 =	seq.s32 s7, s2  }
0x1e: {  	s7 =	smul.u32 @!p0 $0xF7A, s2;
	p2 =	seq.s32 @!p0 s5, $0x0  }
0x1f: {  	s9 =	smul.u32 $0xF7A, s1;
	s8 =	simm.s32 @!p0 $0x1BF5;
	p2 =	por !p2, p0  }
0x20: {  	[sflag:s8] =	ssyncset.s32 @!p0 $0xFFFFF086;
	s6 =	sadd.s32 @!p0 s3, s7;
	s7 =	simm.s32 @!p0 $0x108  }
0x21: {  	s3 =	sadd.s32 s3, s9;
	s6 =	sadd.s32 @!p0 $0x88, s6;
	s7 =	simm.s32 @p2 $0x1082  }
0x22: {  	[simem:s7], [sflag:s8] =	dma.local @!p0 [hbm:s6], $0xF7A  }
0x23: {  	s9 =	sor.u32 $0xD0000000, s2;
	s6 =	simm.s32 $0x108;
	_ =	swait.ge @!p0 [sflag:s8], $0x0  }
0x24: {  	s3 =	sadd.s32 $0x88, s3;
	s6 =	simm.s32 @!p1 $0x1082;
	[sflag:s4] =	ssyncset.s32 $0xFFFFF086  }
0x25: {  	[simem:s6], [sflag:s4] =	dma.local [hbm:s3], $0xF7A  }
0x26: {  	[smem:$0x3F9F] =	sst s1;
	(tag) =	ssettag s2;
	_ =	strace s9  }
0x27: {  	s1 =	sld [smem:$0x3FAF]  }
0x28: {  	s2 =	sld [smem:$0x3FB0]  }
0x29: {  	s4 =	sld [smem:$0x3FB2]  }
0x2a: {  	p0 =	seq.s32 s5, $0x0;
	s5 =	sld [smem:$0x3FB3]  }
0x2b: {  	s6 =	sld [smem:$0x3FB4]  }
0x2c: {  	s7 =	sld [smem:$0x3FB5]  }
0x2d: {  	s3 =	simm.s32 $0x108;
	s8 =	sld [smem:$0x3FB6]  }
0x2e: {  	s3 =	simm.s32 @!p0 $0x1082;
	s9 =	sld [smem:$0x3FB7]  }
0x2f: {  	lr =	sadd.s32 s0, s3;
	s0 =	sld [smem:$0x3FAE]  }
0x30: {  	s3 =	sld [smem:$0x3FB1]  }
0x31: {  	[smem:$0x3FBA] =	sst s10  }
0x32: {  	s10 =	sld [smem:$0x3FB8];
	_ =	sdelay $0x3  }
0x33: {  	p0 =	seq.s32 s10, $0x1;
	s10 =	sld [smem:$0x3FBA];
	_ =	sdelay $0x3  }
0x34: {  	[smem:$0x3FBA] =	sst s10  }
0x35: {  	s10 =	sld [smem:$0x3FB9];
	_ =	sdelay $0x3  }
0x36: {  	p1 =	seq.s32 s10, $0x1;
	s10 =	sld [smem:$0x3FBA];
	_ =	sdelay $0x3  }
0x37: {  	[smem:$0x3FBA] =	sst s10  }
0x38: {  	s10 =	sld [smem:$0x3FBB]  }
0x39: {  	_ = 	snop;
	(pc) =	sbr.ind lr, $3  }
0x3a: {  	_ = 	snop  }
0x3b: {  	_ = 	snop  }
0x3c: {  	p2 =	seq.s32 s10, $0x1;
	s10 =	sld [smem:$0x3FBA]  }
0x3d: {  	_ =	shalt  }
0x3e: {  	_ =	shalt  }
0x3f: {  	_ =	shalt  }
0x40: {  	_ =	shalt  }
0x41: {  	_ =	shalt  }
0x42: {  	_ =	shalt  }
0x43: {  	_ =	shalt  }
0x44: {  	_ =	shalt  }
0x45: {  	_ =	shalt  }
0x46: {  	_ =	shalt  }
0x47: {  	_ =	shalt  }
0x48: {  	_ =	shalt  }
0x49: {  	_ =	shalt  }
0x4a: {  	_ =	shalt  }
0x4b: {  	_ =	shalt  }
0x4c: {  	_ =	shalt  }
0x4d: {  	_ =	shalt  }
0x4e: {  	_ =	shalt  }
0x4f: {  	_ =	shalt  }
0x50: {  	_ =	shalt  }
0x51: {  	_ =	shalt  }
0x52: {  	_ =	shalt  }
0x53: {  	_ =	shalt  }
0x54: {  	_ =	shalt  }
0x55: {  	_ =	shalt  }
0x56: {  	_ =	shalt  }
0x57: {  	_ =	shalt  }
0x58: {  	_ =	shalt  }
0x59: {  	_ =	shalt  }
0x5a: {  	_ =	shalt  }
0x5b: {  	_ =	shalt  }
0x5c: {  	_ =	shalt  }
0x5d: {  	_ =	shalt  }
0x5e: {  	_ =	shalt  }
0x5f: {  	_ =	shalt  }
0x60: {  	_ =	shalt  }
0x61: {  	_ =	shalt  }
0x62: {  	_ =	shalt  }
0x63: {  	_ =	shalt  }
0x64: {  	_ =	shalt  }
0x65: {  	_ =	shalt  }
0x66: {  	_ =	shalt  }
0x67: {  	_ =	shalt  }
0x68: {  	_ =	shalt  }
0x69: {  	_ =	shalt  }
0x6a: {  	_ =	shalt  }
0x6b: {  	_ =	shalt  }
0x6c: {  	_ =	shalt  }
0x6d: {  	_ =	shalt  }
0x6e: {  	_ =	shalt  }
0x6f: {  	_ =	shalt  }
0x70: {  	_ =	shalt  }
0x71: {  	_ =	shalt  }
0x72: {  	_ =	shalt  }
0x73: {  	_ =	shalt  }
0x74: {  	_ =	shalt  }
0x75: {  	_ =	shalt  }
0x76: {  	_ =	shalt  }
0x77: {  	_ =	shalt  }
0x78: {  	_ =	shalt  }
0x79: {  	_ =	shalt  }
0x7a: {  	_ =	shalt  }
0x7b: {  	_ =	shalt  }
0x7c: {  	_ =	shalt  }
0x7d: {  	_ =	shalt  }
0x7e: {  	_ =	shalt  }
0x7f: {  	_ =	shalt  }
0x80: {  	_ =	shalt  }
0x81: {  	_ =	shalt  }
0x82: {  	_ =	shalt  }
0x83: {  	_ =	shalt  }
0x84: {  	_ =	shalt  }
0x85: {  	_ =	shalt  }
0x86: {  	_ =	shalt  }
0x87: {  	_ =	shalt  }
.Lfunc_end0:
.L_simem_size_0:
called_computation.1_lowered:
.L_overlay_start_0:
0x88: {  	s2 =	sld [smem:$0x3FD9]  }
0x89: {  	s3 =	sld [smem:$0x3FFE];
	_ =	sdelay $0x1  }
0x8a: {  	s1 =	srdreg.scid  }
0x8b: {  	s0 =	sand.u32 $0x1, s1  }
0x8c: {  	s17 =	sshll.u32 s0, $0xA;
	s2 =	sadd.s32 s3, s2  }
0x8d: {  	s2 =	sadd.s32 s2, s17  }
0x8e: {  	[smem:$0x3FC6] =	sst s2  }
0x8f: {  	_ = 	snop  }
0x90: {  	s2 =	sld [smem:$0x3FD0];
	(tm) =	ssettm $0x1  }
0x91: {  	s18 =	sld [smem:$0x3FFB];
	_ =	sdelay $0x3  }
0x92: {  	_ =	strace s18  }
0x93: {  	s3 =	sld [smem:$0x3FFC];
	_ =	sdelay $0x3  }
0x94: {  	_ =	strace s3  }
0x95: {  	s3 =	sld [smem:$0x3FFD];
	_ =	sdelay $0x3  }
0x96: {  	_ =	strace s3  }
0x97: {  	_ =	strace $0x8FFFFFFF  }
0x98: {  	s19 =	sld [smem:$0x3FDB];
	_ =	sdelay $0x1  }
0x99: {  	s4 =	simm.s32 $_scs_section_size  }
0x9a: {  	s5 =	simm.s32 $_size__tile_overlayer_lowered;
	s6 =	simm.s32 $_tile_overlayer_lowered  }
0x9b: {  	s22 =	simm.s32 $0x1BFF;
	s21 =	sshll.u32 s6, $0x1;
	s3 =	sadd.s32 s4, s19  }
0x9c: {  	s7 =	simm.s32 $0x0;
	s20 =	sshll.u32 s5, $0x1;
	s5 =	sadd.s32 s21, s3  }
0x9d: {  	[timem:s7], [sflag:s22] =	dma.local [hbm:s5], s20  }
0x9e: {  	_ =	swait.ge [sflag:s22], s20  }
0x9f: {  	s4 =	ssub.s32 $0x0, s20;
	[sflag:s22] =	ssyncset.done $0x0  }
0xa0: {  	[sflag:s22] =	ssyncadd.s32 s4;
	_ =	sdelay $0x1  }
0xa1: {  	s23 =	simm.s32 $0x1B8B  }
0xa2: {  	_ =	swait.ge [sflag:s23], $0x1  }
0xa3: {  	[sflag:s23] =	ssyncset.done $0x0  }
0xa4: {  	s25 =	simm.s32 $0x1B8E;
	s24 =	sld [smem:$0x3FFE];
	[sflag:s23] =	ssyncadd.s32 $0xFFFFFFFF  }
0xa5: {  	s26 =	simm.s32 $execute0_lowered;
	[smem:$0x3FD2] =	sst s25  }
0xa6: {  	s5 =	sshll.u32 s26, $0x1;
	_ =	strace $0x80000046;
	[dreg:$0x1] =	wrdreg $0xFFFFFFFF  }
0xa7: {  	s28 =	simm.s32 $_size_execute0_lowered;
	s3 =	sadd.s32 s3, s5;
	[dreg:$0x0] =	wrdreg $0x0  }
0xa8: {  	s5 =	sshll.u32 s28, $0x1;
	[dreg:$0x2] =	wrdreg s3  }
0xa9: {  	[dreg:$0x3] =	wrdreg s5  }
0xaa: {  	[dreg:$0x4] =	wrdreg $0xC0  }
0xab: {  	_ =	task [dreg:s7], $0x5FFFF  }
0xac: {  	[dreg:$0x1] =	wrdreg $0xFFFFFFFF  }
0xad: {  	[dreg:$0x0] =	wrdreg $0x60  }
0xae: {  	[dreg:$0x2] =	wrdreg s24  }
0xaf: {  	[dreg:$0x3] =	wrdreg s2  }
0xb0: {  	[dreg:$0x4] =	wrdreg $0x9  }
0xb1: {  	_ =	task.clear_ibuf [dreg:s7], $0x5FFFF;
	_ =	strace $0x90000046  }
0xb2: {  	s29 =	simm.s32 $0x9;
	_ =	strace $0x80000048  }
0xb3: {  	_ =	swait.ge [sflag:s29], $0x1  }
0xb4: {  	[sflag:s29] =	ssyncadd.s32 $0xFFFFFFFF  }
0xb5: {  	_ =	strace $0x90000048  }
0xb6: {  	_ =	sfence  }
0xb7: {  	s30 =	sld [smem:$0x0];
	_ =	sdelay $0x2  }
0xb8: {  	s31 =	sshll.u32 s1, $0xD;
	s1 =	sshrl.u32 s1, $0x2  }
0xb9: {  	s3 =	sand.u32 $0x4000, s31;
	s1 =	sadd.s32 s1, s30  }
0xba: {  	s0 =	sor.u32 s3, s0;
	s1 =	sshll.u32 s1, $0x11  }
0xbb: {  	s0 =	sor.u32 s1, s0  }
0xbc: {  	s0 =	sadd.s32 $0x8F2B, s0  }
0xbd: {  	[sflag:s0] =	ssyncadd.remote.s32 $0x1  }
0xbe: {  	_ =	sfence.sel $0xFFFF  }
0xbf: {  	[dreg:$0x0] =	wrdreg $0xFFFFFFFF;
	(pc) =	sbr.abs _section_cstart, $3  }
0xc0: {  	[dreg:$0x1] =	wrdreg $0xFFFFFFFF  }
0xc1: {  	_ =	task.clear_ibuf [dreg:s7], $0x2FFFF;
	_ =	strace $0x9FFFFFFF  }
0xc2: {  	(tm) =	ssettm $0x7FFFFFFF  }
0xc3: {  	_ =	shalt  }
tec
execute0_lowered:
.L_overlay_start_1:
0x0: {  	(tag) =	ssettag $0x1  }
0x1: {  	s0 =	srdreg.scid  }
0x2: {  	s1 =	rddreg [dreg:$0x0];
	s9 =	stileid.u32  }
0x3: {  	s4 =	rddreg [dreg:$0x1];
	s2 =	simm.s32 $0x0;
	s11 =	simm.s32 $0x5  }
0x4: {  	s12 =	simm.s32 $0x32;
	s13 =	simm.s32 $0x7000;
	s15 =	simm.s32 $0x7C80  }
0x5: {  	s17 =	simm.s32 $0x8900;
	s19 =	simm.s32 $0x9580;
	s21 =	simm.s32 $0xA200  }
0x6: {  	s28 =	simm.s32 $0xC780;
	s30 =	simm.s32 $0xD400;
	s14 =	simm.s32 $0xED00  }
0x7: {  	s18 =	simm.s32 $0xF980;
	s22 =	simm.s32 $0x10600;
	s31 =	simm.s32 $0x11F00  }
0x8: {  	s16 =	simm.s32 $0x12B80;
	s20 =	simm.s32 $0x1;
	s0 =	sand.u32 $0x1, s0  }
0x9: {  	s29 =	simm.s32 $0x2;
	s3 =	sshll.u32 s9, $0xA;
	s5 =	sshll.u32 s0, $0x9  }
0xa: {  	s9 =	smul.u32 $0x64000, s9;
	s6 =	ssub.s32 $0x2, s0;
	s3 =	sor.u32 s5, s3  }
0xb: {  	[smem:$0x7FF] =	sst s2;
	s8 =	sshrl.u32 s6, $0x1;
	s5 =	smul.u32 $0x7, s3  }
0xc: {  	_ =	strace $0x80000047;
	s7 =	smul.u32 $0x190, s3;
	s23 =	ssub.s32 s6, s8  }
0xd: {  	s3 =	sadd.s32 $0xF43000, s1;
	s5 =	sadd.s32 s5, s1;
	s1 =	smax.u32 s23, $0x1  }
0xe: {  	s0 =	smul.u32 $0x32000, s0;
	s5 =	sadd.s32 $0xA00, s5;
	[dreg:$0x4] =	wrdreg s1  }
0xf: {  	s23 =	simm.s32 $0xAE80;
	[dreg:$0x3] =	wrdreg s5;
	s5 =	sadd.s32 s4, s7  }
0x10: {  	s1 =	simm.s32 $0xE080;
	s4 =	sadd.s32 s9, s4;
	s24 =	sadd.s32 $0xC80, s5  }
0x11: {  	s0 =	sadd.s32 s0, s4;
	s25 =	sadd.s32 $0x30700, s5;
	[dreg:$0x5] =	wrdreg s24  }
0x12: {  	s26 =	sadd.s32 $0x31380, s5;
	s4 =	simm.s32 $0x0;
	[dreg:$0x6] =	wrdreg s25  }
0x13: {  	[dreg:$0x7] =	wrdreg s26;
	s10 =	sadd.s32 $0x1900, s0;
	s25 =	simm.s32 $0xBB00  }
0x14: {  	s26 =	simm.s32 $0x11280;
	s24 =	simm.s32 $0x3;
	s0 =	simm.s32 $0x4  }
.LBB2_1:
0x15: {  	s6 =	rddreg [dreg:$0x3]  }
0x16: {  	[tilespmem:s2], [sflag:$0x5] =	stream.linear.gather [hbm4b:s6+s2], $0x7000, $0x38;
	[tilespmem:$0x13800] =	vst v63  }
0x17: {  	_ =	swait.ge [sflag:s11], $0x7000  }
0x18: {  	[sflag:s11] =	ssyncset.done $0x0  }
0x19: {  	[sflag:s11] =	ssyncadd.s32 $0xFFFF9000  }
0x1a: {  	[tilespmem:s13], [sflag:$0x1] =	stream.indirect.gather [hbm4b:s3+s12], $0x40, s2, s12, $0xb8;
	[tilespmem:$0x13800] =	vst v63  }
0x1b: {  	s9 =	simm.s32 $0x38  }
0x1c: {  	[tilespmem:s15], [sflag:$0x1] =	stream.indirect.gather [hbm4b:s3+s12], $0x40, s9, s12, $0xb8;
	[tilespmem:$0x13800] =	vst v63  }
0x1d: {  	s7 =	simm.s32 $0x70  }
0x1e: {  	[tilespmem:s17], [sflag:$0x1] =	stream.indirect.gather [hbm4b:s3+s12], $0x40, s7, s12, $0xb8;
	[tilespmem:$0x13800] =	vst v63  }
0x1f: {  	s8 =	simm.s32 $0xA8  }
0x20: {  	[tilespmem:s19], [sflag:$0x1] =	stream.indirect.gather [hbm4b:s3+s12], $0x40, s8, s12, $0xb8;
	[tilespmem:$0x13800] =	vst v63  }
0x21: {  	s9 =	simm.s32 $0xE0  }
0x22: {  	[tilespmem:s21], [sflag:$0x1] =	stream.indirect.gather [hbm4b:s3+s12], $0x40, s9, s12, $0xb8;
	[tilespmem:$0x13800] =	vst v63  }
0x23: {  	s7 =	simm.s32 $0x118  }
0x24: {  	[tilespmem:s23], [sflag:$0x1] =	stream.indirect.gather [hbm4b:s3+s12], $0x40, s7, s12, $0xb8;
	[tilespmem:$0x13800] =	vst v63  }
0x25: {  	s8 =	simm.s32 $0x150  }
0x26: {  	[tilespmem:s25], [sflag:$0x1] =	stream.indirect.gather [hbm4b:s3+s12], $0x40, s8, s12, $0xb8;
	[tilespmem:$0x13800] =	vst v63  }
0x27: {  	s9 =	simm.s32 $0x188  }
0x28: {  	[tilespmem:s28], [sflag:$0x1] =	stream.indirect.gather [hbm4b:s3+s12], $0x40, s9, s12, $0xb8;
	[tilespmem:$0x13800] =	vst v63  }
0x29: {  	s7 =	simm.s32 $0x1C0  }
0x2a: {  	[tilespmem:s30], [sflag:$0x2] =	stream.indirect.gather [hbm4b:s3+s12], $0x40, s7, s12, $0xb8;
	[tilespmem:$0x13800] =	vst v63  }
0x2b: {  	s8 =	simm.s32 $0x1F8  }
0x2c: {  	[tilespmem:s1], [sflag:$0x2] =	stream.indirect.gather [hbm4b:s3+s12], $0x40, s8, s12, $0xb8;
	[tilespmem:$0x13800] =	vst v63  }
0x2d: {  	s9 =	simm.s32 $0x230  }
0x2e: {  	[tilespmem:s14], [sflag:$0x2] =	stream.indirect.gather [hbm4b:s3+s12], $0x40, s9, s12, $0xb8;
	[tilespmem:$0x13800] =	vst v63  }
0x2f: {  	s7 =	simm.s32 $0x268  }
0x30: {  	[tilespmem:s18], [sflag:$0x2] =	stream.indirect.gather [hbm4b:s3+s12], $0x40, s7, s12, $0xb8;
	[tilespmem:$0x13800] =	vst v63  }
0x31: {  	s8 =	simm.s32 $0x2A0  }
0x32: {  	[tilespmem:s22], [sflag:$0x2] =	stream.indirect.gather [hbm4b:s3+s12], $0x40, s8, s12, $0xb8;
	[tilespmem:$0x13800] =	vst v63  }
0x33: {  	s9 =	simm.s32 $0x2D8  }
0x34: {  	[tilespmem:s26], [sflag:$0x2] =	stream.indirect.gather [hbm4b:s3+s12], $0x40, s9, s12, $0xb8;
	[tilespmem:$0x13800] =	vst v63  }
0x35: {  	s7 =	simm.s32 $0x310  }
0x36: {  	[tilespmem:s31], [sflag:$0x2] =	stream.indirect.gather [hbm4b:s3+s12], $0x40, s7, s12, $0xb8;
	[tilespmem:$0x13800] =	vst v63  }
0x37: {  	s8 =	simm.s32 $0x348  }
0x38: {  	[tilespmem:s16], [sflag:$0x2] =	stream.indirect.gather [hbm4b:s3+s12], $0x40, s8, s12, $0xb8;
	[tilespmem:$0x13800] =	vst v63  }
0x39: {  	_ =	swait.ge [sflag:s20], $0x6400  }
0x3a: {  	[sflag:s20] =	ssyncset.done $0x0  }
0x3b: {  	[sflag:s20] =	ssyncadd.s32 $0xFFFF9C00  }
0x3c: {  	[hbm4b:s5+s2] =	stream.linear.scatter [tilespmem:s13], [sflag:$0x3], $0x6400, $0x38;
	[tilespmem:$0x13800] =	vst v63  }
0x3d: {  	_ =	swait.ge [sflag:s24], $0x6400  }
0x3e: {  	[sflag:s24] =	ssyncset.done $0x0  }
0x3f: {  	s9 =	simm.s32 $0x380;
	[sflag:s24] =	ssyncadd.s32 $0xFFFF9C00  }
0x40: {  	[tilespmem:s13], [sflag:$0x1] =	stream.indirect.gather [hbm4b:s3+s12], $0x40, s9, s12, $0xb8;
	[tilespmem:$0x13800] =	vst v63  }
0x41: {  	s7 =	simm.s32 $0x3B8  }
0x42: {  	[tilespmem:s15], [sflag:$0x1] =	stream.indirect.gather [hbm4b:s3+s12], $0x40, s7, s12, $0xb8;
	[tilespmem:$0x13800] =	vst v63  }
0x43: {  	s8 =	simm.s32 $0x3F0  }
0x44: {  	[tilespmem:s17], [sflag:$0x1] =	stream.indirect.gather [hbm4b:s3+s12], $0x40, s8, s12, $0xb8;
	[tilespmem:$0x13800] =	vst v63  }
0x45: {  	s9 =	simm.s32 $0x428  }
0x46: {  	[tilespmem:s19], [sflag:$0x1] =	stream.indirect.gather [hbm4b:s3+s12], $0x40, s9, s12, $0xb8;
	[tilespmem:$0x13800] =	vst v63  }
0x47: {  	s7 =	simm.s32 $0x460  }
0x48: {  	[tilespmem:s21], [sflag:$0x1] =	stream.indirect.gather [hbm4b:s3+s12], $0x40, s7, s12, $0xb8;
	[tilespmem:$0x13800] =	vst v63  }
0x49: {  	s8 =	simm.s32 $0x498  }
0x4a: {  	[tilespmem:s23], [sflag:$0x1] =	stream.indirect.gather [hbm4b:s3+s12], $0x40, s8, s12, $0xb8;
	[tilespmem:$0x13800] =	vst v63  }
0x4b: {  	s9 =	simm.s32 $0x4D0  }
0x4c: {  	[tilespmem:s25], [sflag:$0x1] =	stream.indirect.gather [hbm4b:s3+s12], $0x40, s9, s12, $0xb8;
	[tilespmem:$0x13800] =	vst v63  }
0x4d: {  	s7 =	simm.s32 $0x508  }
0x4e: {  	[tilespmem:s28], [sflag:$0x1] =	stream.indirect.gather [hbm4b:s3+s12], $0x40, s7, s12, $0xb8;
	[tilespmem:$0x13800] =	vst v63  }
0x4f: {  	_ =	swait.ge [sflag:s29], $0x6400  }
0x50: {  	[sflag:s29] =	ssyncset.done $0x0  }
0x51: {  	s8 =	rddreg [dreg:$0x5];
	[sflag:s29] =	ssyncadd.s32 $0xFFFF9C00  }
0x52: {  	[hbm4b:s8+s2] =	stream.linear.scatter [tilespmem:s30], [sflag:$0x4], $0x6400, $0x38;
	[tilespmem:$0x13800] =	vst v63  }
0x53: {  	_ =	swait.ge [sflag:s0], $0x6400  }
0x54: {  	[sflag:s0] =	ssyncset.done $0x0  }
0x55: {  	s9 =	simm.s32 $0x540;
	[sflag:s0] =	ssyncadd.s32 $0xFFFF9C00  }
0x56: {  	[tilespmem:s30], [sflag:$0x2] =	stream.indirect.gather [hbm4b:s3+s12], $0x40, s9, s12, $0xb8;
	[tilespmem:$0x13800] =	vst v63  }
0x57: {  	s7 =	simm.s32 $0x578  }
0x58: {  	[tilespmem:s1], [sflag:$0x2] =	stream.indirect.gather [hbm4b:s3+s12], $0x40, s7, s12, $0xb8;
	[tilespmem:$0x13800] =	vst v63  }
0x59: {  	s8 =	simm.s32 $0x5B0  }
0x5a: {  	[tilespmem:s14], [sflag:$0x2] =	stream.indirect.gather [hbm4b:s3+s12], $0x40, s8, s12, $0xb8;
	[tilespmem:$0x13800] =	vst v63  }
0x5b: {  	s9 =	simm.s32 $0x5E8  }
0x5c: {  	[tilespmem:s18], [sflag:$0x2] =	stream.indirect.gather [hbm4b:s3+s12], $0x40, s9, s12, $0xb8;
	[tilespmem:$0x13800] =	vst v63  }
0x5d: {  	s7 =	simm.s32 $0x620  }
0x5e: {  	[tilespmem:s22], [sflag:$0x2] =	stream.indirect.gather [hbm4b:s3+s12], $0x40, s7, s12, $0xb8;
	[tilespmem:$0x13800] =	vst v63  }
0x5f: {  	s8 =	simm.s32 $0x658  }
0x60: {  	[tilespmem:s26], [sflag:$0x2] =	stream.indirect.gather [hbm4b:s3+s12], $0x40, s8, s12, $0xb8;
	[tilespmem:$0x13800] =	vst v63  }
0x61: {  	s9 =	simm.s32 $0x690  }
0x62: {  	[tilespmem:s31], [sflag:$0x2] =	stream.indirect.gather [hbm4b:s3+s12], $0x40, s9, s12, $0xb8;
	[tilespmem:$0x13800] =	vst v63  }
0x63: {  	s7 =	simm.s32 $0x6C8  }
0x64: {  	[tilespmem:s16], [sflag:$0x2] =	stream.indirect.gather [hbm4b:s3+s12], $0x40, s7, s12, $0xb8;
	[tilespmem:$0x13800] =	vst v63  }
0x65: {  	_ =	swait.ge [sflag:s20], $0x6400  }
0x66: {  	[sflag:s20] =	ssyncset.done $0x0  }
0x67: {  	[sflag:s20] =	ssyncadd.s32 $0xFFFF9C00  }
0x68: {  	[hbm4b:s10+s2] =	stream.linear.scatter [tilespmem:s13], [sflag:$0x3], $0x6400, $0x38;
	[tilespmem:$0x13800] =	vst v63  }
0x69: {  	_ =	swait.ge [sflag:s24], $0x6400  }
0x6a: {  	[sflag:s24] =	ssyncset.done $0x0  }
0x6b: {  	s8 =	simm.s32 $0x700;
	[sflag:s24] =	ssyncadd.s32 $0xFFFF9C00  }
0x6c: {  	[tilespmem:s13], [sflag:$0x1] =	stream.indirect.gather [hbm4b:s3+s12], $0x40, s8, s12, $0xb8;
	[tilespmem:$0x13800] =	vst v63  }
0x6d: {  	s9 =	simm.s32 $0x738  }
0x6e: {  	[tilespmem:s15], [sflag:$0x1] =	stream.indirect.gather [hbm4b:s3+s12], $0x40, s9, s12, $0xb8;
	[tilespmem:$0x13800] =	vst v63  }
0x6f: {  	s7 =	simm.s32 $0x770  }
0x70: {  	[tilespmem:s17], [sflag:$0x1] =	stream.indirect.gather [hbm4b:s3+s12], $0x40, s7, s12, $0xb8;
	[tilespmem:$0x13800] =	vst v63  }
0x71: {  	s8 =	simm.s32 $0x7A8  }
0x72: {  	[tilespmem:s19], [sflag:$0x1] =	stream.indirect.gather [hbm4b:s3+s12], $0x40, s8, s12, $0xb8;
	[tilespmem:$0x13800] =	vst v63  }
0x73: {  	s9 =	simm.s32 $0x7E0  }
0x74: {  	[tilespmem:s21], [sflag:$0x1] =	stream.indirect.gather [hbm4b:s3+s12], $0x40, s9, s12, $0xb8;
	[tilespmem:$0x13800] =	vst v63  }
0x75: {  	s7 =	simm.s32 $0x818  }
0x76: {  	[tilespmem:s23], [sflag:$0x1] =	stream.indirect.gather [hbm4b:s3+s12], $0x40, s7, s12, $0xb8;
	[tilespmem:$0x13800] =	vst v63  }
0x77: {  	s8 =	simm.s32 $0x850  }
0x78: {  	[tilespmem:s25], [sflag:$0x1] =	stream.indirect.gather [hbm4b:s3+s12], $0x40, s8, s12, $0xb8;
	[tilespmem:$0x13800] =	vst v63  }
0x79: {  	s9 =	simm.s32 $0x888  }
0x7a: {  	[tilespmem:s28], [sflag:$0x1] =	stream.indirect.gather [hbm4b:s3+s12], $0x40, s9, s12, $0xb8;
	[tilespmem:$0x13800] =	vst v63  }
0x7b: {  	_ =	swait.ge [sflag:s29], $0x6400  }
0x7c: {  	s6 =	simm.s32 $0xE00;
	[sflag:s29] =	ssyncset.done $0x0  }
0x7d: {  	s7 =	sadd.s32 $0x1900, s10;
	s8 =	sadd.s32 $0xC80, s10;
	[sflag:s29] =	ssyncadd.s32 $0xFFFF9C00  }
.LBB2_2:
0x7e: {  	[hbm4b:s8+s2] =	stream.linear.scatter [tilespmem:s30], [sflag:$0x4], $0x6400, $0x38;
	[tilespmem:$0x13800] =	vst v63  }
0x7f: {  	s8 =	smov.u32 s6  }
0x80: {  	p0 =	sne.s32 s6, $0x19600;
	s6 =	sadd.s32 $0xE00, s6;
	_ =	swait.ge [sflag:s0], $0x6400  }
0x81: {  	s8 =	sshra.s32 s8, $0x2;
	[sflag:s0] =	ssyncset.done $0x0  }
0x82: {  	s9 =	sadd.s32 $0x540, s8;
	[sflag:s0] =	ssyncadd.s32 $0xFFFF9C00  }
0x83: {  	[tilespmem:s30], [sflag:$0x2] =	stream.indirect.gather [hbm4b:s3+s12], $0x40, s9, s12, $0xb8;
	[tilespmem:$0x13800] =	vst v63  }
0x84: {  	s9 =	sadd.s32 $0x578, s8  }
0x85: {  	[tilespmem:s1], [sflag:$0x2] =	stream.indirect.gather [hbm4b:s3+s12], $0x40, s9, s12, $0xb8;
	[tilespmem:$0x13800] =	vst v63  }
0x86: {  	s9 =	sadd.s32 $0x5B0, s8  }
0x87: {  	[tilespmem:s14], [sflag:$0x2] =	stream.indirect.gather [hbm4b:s3+s12], $0x40, s9, s12, $0xb8;
	[tilespmem:$0x13800] =	vst v63  }
0x88: {  	s9 =	sadd.s32 $0x5E8, s8  }
0x89: {  	[tilespmem:s18], [sflag:$0x2] =	stream.indirect.gather [hbm4b:s3+s12], $0x40, s9, s12, $0xb8;
	[tilespmem:$0x13800] =	vst v63  }
0x8a: {  	s9 =	sadd.s32 $0x620, s8  }
0x8b: {  	[tilespmem:s22], [sflag:$0x2] =	stream.indirect.gather [hbm4b:s3+s12], $0x40, s9, s12, $0xb8;
	[tilespmem:$0x13800] =	vst v63  }
0x8c: {  	s9 =	sadd.s32 $0x658, s8  }
0x8d: {  	[tilespmem:s26], [sflag:$0x2] =	stream.indirect.gather [hbm4b:s3+s12], $0x40, s9, s12, $0xb8;
	[tilespmem:$0x13800] =	vst v63  }
0x8e: {  	s9 =	sadd.s32 $0x690, s8  }
0x8f: {  	[tilespmem:s31], [sflag:$0x2] =	stream.indirect.gather [hbm4b:s3+s12], $0x40, s9, s12, $0xb8;
	[tilespmem:$0x13800] =	vst v63  }
0x90: {  	s9 =	sadd.s32 $0x6C8, s8  }
0x91: {  	[tilespmem:s16], [sflag:$0x2] =	stream.indirect.gather [hbm4b:s3+s12], $0x40, s9, s12, $0xb8;
	[tilespmem:$0x13800] =	vst v63  }
0x92: {  	_ =	swait.ge [sflag:s20], $0x6400  }
0x93: {  	[sflag:s20] =	ssyncset.done $0x0  }
0x94: {  	[sflag:s20] =	ssyncadd.s32 $0xFFFF9C00  }
0x95: {  	[hbm4b:s7+s2] =	stream.linear.scatter [tilespmem:s13], [sflag:$0x3], $0x6400, $0x38;
	[tilespmem:$0x13800] =	vst v63  }
0x96: {  	_ =	swait.ge [sflag:s24], $0x6400  }
0x97: {  	[sflag:s24] =	ssyncset.done $0x0  }
0x98: {  	s9 =	sadd.s32 $0x700, s8;
	[sflag:s24] =	ssyncadd.s32 $0xFFFF9C00  }
0x99: {  	[tilespmem:s13], [sflag:$0x1] =	stream.indirect.gather [hbm4b:s3+s12], $0x40, s9, s12, $0xb8;
	[tilespmem:$0x13800] =	vst v63  }
0x9a: {  	s9 =	sadd.s32 $0x738, s8  }
0x9b: {  	[tilespmem:s15], [sflag:$0x1] =	stream.indirect.gather [hbm4b:s3+s12], $0x40, s9, s12, $0xb8;
	[tilespmem:$0x13800] =	vst v63  }
0x9c: {  	s9 =	sadd.s32 $0x770, s8  }
0x9d: {  	[tilespmem:s17], [sflag:$0x1] =	stream.indirect.gather [hbm4b:s3+s12], $0x40, s9, s12, $0xb8;
	[tilespmem:$0x13800] =	vst v63  }
0x9e: {  	s9 =	sadd.s32 $0x7A8, s8  }
0x9f: {  	[tilespmem:s19], [sflag:$0x1] =	stream.indirect.gather [hbm4b:s3+s12], $0x40, s9, s12, $0xb8;
	[tilespmem:$0x13800] =	vst v63  }
0xa0: {  	s9 =	sadd.s32 $0x7E0, s8  }
0xa1: {  	[tilespmem:s21], [sflag:$0x1] =	stream.indirect.gather [hbm4b:s3+s12], $0x40, s9, s12, $0xb8;
	[tilespmem:$0x13800] =	vst v63  }
0xa2: {  	s9 =	sadd.s32 $0x818, s8  }
0xa3: {  	[tilespmem:s23], [sflag:$0x1] =	stream.indirect.gather [hbm4b:s3+s12], $0x40, s9, s12, $0xb8;
	[tilespmem:$0x13800] =	vst v63  }
0xa4: {  	s9 =	sadd.s32 $0x850, s8  }
0xa5: {  	[tilespmem:s25], [sflag:$0x1] =	stream.indirect.gather [hbm4b:s3+s12], $0x40, s9, s12, $0xb8;
	[tilespmem:$0x13800] =	vst v63  }
.Ltmp0:
0xa6: {  	s8 =	sadd.s32 $0x888, s8;
	(pc) =	sbr.rel @p0 .LBB2_2-.Ltmp0, $4  }
0xa7: {  	[tilespmem:s28], [sflag:$0x1] =	stream.indirect.gather [hbm4b:s3+s12], $0x40, s8, s12, $0xb8;
	[tilespmem:$0x13800] =	vst v63  }
0xa8: {  	_ =	swait.ge [sflag:s29], $0x6400  }
0xa9: {  	[sflag:s29] =	ssyncset.done $0x0  }
0xaa: {  	s8 =	sadd.s32 $0xC80, s7;
	s7 =	sadd.s32 $0x1900, s7;
	[sflag:s29] =	ssyncadd.s32 $0xFFFF9C00  }
0xab: {  	[hbm4b:s8+s2] =	stream.linear.scatter [tilespmem:s30], [sflag:$0x4], $0x6400, $0x38;
	[tilespmem:$0x13800] =	vst v63  }
0xac: {  	_ =	swait.ge [sflag:s0], $0x6400  }
0xad: {  	[sflag:s0] =	ssyncset.done $0x0  }
0xae: {  	s6 =	simm.s32 $0x6E40;
	[sflag:s0] =	ssyncadd.s32 $0xFFFF9C00  }
0xaf: {  	[tilespmem:s30], [sflag:$0x2] =	stream.indirect.gather [hbm4b:s3+s12], $0x40, s6, s12, $0xb8;
	[tilespmem:$0x13800] =	vst v63  }
0xb0: {  	s9 =	simm.s32 $0x6E78  }
0xb1: {  	[tilespmem:s1], [sflag:$0x2] =	stream.indirect.gather [hbm4b:s3+s12], $0x40, s9, s12, $0xb8;
	[tilespmem:$0x13800] =	vst v63  }
0xb2: {  	s7 =	simm.s32 $0x6EB0  }
0xb3: {  	[tilespmem:s14], [sflag:$0x2] =	stream.indirect.gather [hbm4b:s3+s12], $0x40, s7, s12, $0xb8;
	[tilespmem:$0x13800] =	vst v63  }
0xb4: {  	s8 =	simm.s32 $0x6EE8  }
0xb5: {  	[tilespmem:s18], [sflag:$0x2] =	stream.indirect.gather [hbm4b:s3+s12], $0x40, s8, s12, $0xb8;
	[tilespmem:$0x13800] =	vst v63  }
0xb6: {  	s9 =	simm.s32 $0x6F20  }
0xb7: {  	[tilespmem:s22], [sflag:$0x2] =	stream.indirect.gather [hbm4b:s3+s12], $0x40, s9, s12, $0xb8;
	[tilespmem:$0x13800] =	vst v63  }
0xb8: {  	s7 =	simm.s32 $0x6F58  }
0xb9: {  	[tilespmem:s26], [sflag:$0x2] =	stream.indirect.gather [hbm4b:s3+s12], $0x40, s7, s12, $0xb8;
	[tilespmem:$0x13800] =	vst v63  }
0xba: {  	s8 =	simm.s32 $0x6F90  }
0xbb: {  	[tilespmem:s31], [sflag:$0x2] =	stream.indirect.gather [hbm4b:s3+s12], $0x40, s8, s12, $0xb8;
	[tilespmem:$0x13800] =	vst v63  }
0xbc: {  	s9 =	simm.s32 $0x6FC8  }
0xbd: {  	[tilespmem:s16], [sflag:$0x2] =	stream.indirect.gather [hbm4b:s3+s12], $0x40, s9, s12, $0xb8;
	[tilespmem:$0x13800] =	vst v63  }
0xbe: {  	_ =	swait.ge [sflag:s20], $0x6400  }
0xbf: {  	[sflag:s20] =	ssyncset.done $0x0  }
0xc0: {  	s7 =	rddreg [dreg:$0x6];
	[sflag:s20] =	ssyncadd.s32 $0xFFFF9C00  }
0xc1: {  	[hbm4b:s7+s2] =	stream.linear.scatter [tilespmem:s13], [sflag:$0x3], $0x6400, $0x38;
	[tilespmem:$0x13800] =	vst v63  }
0xc2: {  	_ =	swait.ge [sflag:s24], $0x6400  }
0xc3: {  	[sflag:s24] =	ssyncset.done $0x0  }
0xc4: {  	[sflag:s24] =	ssyncadd.s32 $0xFFFF9C00  }
0xc5: {  	_ =	swait.ge [sflag:s29], $0x6400  }
0xc6: {  	[sflag:s29] =	ssyncset.done $0x0  }
0xc7: {  	s8 =	rddreg [dreg:$0x7];
	[sflag:s29] =	ssyncadd.s32 $0xFFFF9C00  }
0xc8: {  	[hbm4b:s8+s2] =	stream.linear.scatter [tilespmem:s30], [sflag:$0x4], $0x6400, $0x38;
	[tilespmem:$0x13800] =	vst v63  }
0xc9: {  	_ =	swait.ge [sflag:s0], $0x6400  }
0xca: {  	s4 =	sadd.s32 $0x1, s4;
	s9 =	rddreg [dreg:$0x4]  }
0xcb: {  	p0 =	sne.s32 s4, s9  }
.Ltmp1:
0xcc: {  	_ = 	snop;
	(pc) =	sbr.rel @p0 .LBB2_1-.Ltmp1, $3  }
0xcd: {  	_ =	sdelay $0x1  }
0xce: {  	[sflag:s0] =	ssyncset.done $0x0  }
0xcf: {  	[sflag:s0] =	ssyncadd.s32 $0xFFFF9C00  }
0xd0: {  	_ =	sfence.sel $0x180000  }
0xd1: {  	[bflag:$0x0] =	sbarrier.arrive $0xFFFF  }
0xd2: {  	_ =	strace $0x90000047  }
0xd3: {  	s0 =	stileid.u32;
	[bflag:$0x2] =	sbarrier.arrive $0xFFFF  }
0xd4: {  	p0 =	sne.s32 s0, $0x0;
	s0 =	rddreg [dreg:$0x2]  }
0xd5: {  	s0 =	sadd.s32 @!p0 $0x100000, s0  }
0xd6: {  	[sflag:s0] =	ssyncadd.tile.s32 @!p0 $0x1;
	_ =	shalt  }
.Lfunc_end2:
_tile_overlayer_lowered:
.L_overlay_start_2:
0xd7: {  	(tag) =	ssettag $0x2  }
0xd8: {  	s0 =	rddreg [dreg:$0x0];
	s2 =	stileid.u32  }
0xd9: {  	s1 =	rddreg [dreg:$0x1];
	p0 =	sne.s32 s2, $0x0  }
0xda: {  	s3 =	rddreg [dreg:$0x2];
	[bflag:$0x3] =	sbarrier.arrive $0xFFFF;
	s2 =	simm.s32 @!p0 $0x1C05  }
0xdb: {  	[timem:s3], [sflag:s2] =	dma.local @!p0 [hbm:s0], s1  }
0xdc: {  	s0 =	simm.s32 @!p0 $0x5  }
0xdd: {  	_ =	swait.ge @!p0 [sflag:s0], s1  }
0xde: {  	s1 =	ssub.s32 @!p0 $0x0, s1;
	[sflag:s0] =	ssyncset.done @!p0 $0x0  }
0xdf: {  	[sflag:s0] =	ssyncadd.s32 @!p0 s1  }
0xe0: {  	[bflag:$0x3] =	sbarrier.arrive $0xFFFF  }
0xe1: {  	_ =	shalt  }

// kernel: sparse-core-data-format-call.cloned.1.call-start
scs
called_computation_lowered:
.L_overlay_start_0:
0x0: {  	s2 =	sld [smem:$0x3FD9]  }
0x1: {  	s3 =	sld [smem:$0x3FFE];
	_ =	sdelay $0x1  }
0x2: {  	s1 =	srdreg.scid  }
0x3: {  	s0 =	sand.u32 $0x1, s1  }
0x4: {  	s18 =	sshll.u32 s0, $0xA;
	s2 =	sadd.s32 s3, s2  }
0x5: {  	s2 =	sadd.s32 s2, s18  }
0x6: {  	[smem:$0x3FC6] =	sst s2  }
0x7: {  	_ = 	snop  }
0x8: {  	s2 =	sld [smem:$0x3FD0];
	(tm) =	ssettm $0x1  }
0x9: {  	s19 =	sld [smem:$0x3FFB];
	_ =	sdelay $0x3  }
0xa: {  	_ =	strace s19  }
0xb: {  	s3 =	sld [smem:$0x3FFC];
	_ =	sdelay $0x3  }
0xc: {  	_ =	strace s3  }
0xd: {  	s3 =	sld [smem:$0x3FFD];
	_ =	sdelay $0x3  }
0xe: {  	_ =	strace s3  }
0xf: {  	_ =	strace $0x8FFFFFFF  }
0x10: {  	s20 =	sld [smem:$0x3FDB];
	_ =	sdelay $0x1  }
0x11: {  	s4 =	simm.s32 $_scs_section_size  }
0x12: {  	s5 =	simm.s32 $_size__tile_overlayer_lowered;
	s6 =	simm.s32 $_tile_overlayer_lowered  }
0x13: {  	s23 =	simm.s32 $0x1BFF;
	s22 =	sshll.u32 s6, $0x1;
	s3 =	sadd.s32 s4, s20  }
0x14: {  	s7 =	simm.s32 $0x0;
	s21 =	sshll.u32 s5, $0x1;
	s5 =	sadd.s32 s22, s3  }
0x15: {  	[timem:s7], [sflag:s23] =	dma.local [hbm:s5], s21  }
0x16: {  	_ =	swait.ge [sflag:s23], s21  }
0x17: {  	s4 =	ssub.s32 $0x0, s21;
	[sflag:s23] =	ssyncset.done $0x0  }
0x18: {  	[sflag:s23] =	ssyncadd.s32 s4;
	_ =	sdelay $0x1  }
0x19: {  	s24 =	simm.s32 $0x1B8B  }
0x1a: {  	_ =	swait.ge [sflag:s24], $0x1  }
0x1b: {  	[sflag:s24] =	ssyncset.done $0x0  }
0x1c: {  	s26 =	simm.s32 $0x1B8E;
	s25 =	sld [smem:$0x3FFE];
	[sflag:s24] =	ssyncadd.s32 $0xFFFFFFFF  }
0x1d: {  	s27 =	simm.s32 $execute0_lowered;
	[smem:$0x3FD2] =	sst s26  }
0x1e: {  	s5 =	sshll.u32 s27, $0x1;
	_ =	strace $0x80000049;
	[dreg:$0x1] =	wrdreg $0xFFFFFFFF  }
0x1f: {  	s28 =	simm.s32 $_size_execute0_lowered;
	s3 =	sadd.s32 s3, s5;
	[dreg:$0x0] =	wrdreg $0x0  }
0x20: {  	s5 =	sshll.u32 s28, $0x1;
	[dreg:$0x2] =	wrdreg s3  }
0x21: {  	[dreg:$0x3] =	wrdreg s5  }
0x22: {  	[dreg:$0x4] =	wrdreg $0xC0  }
0x23: {  	_ =	task [dreg:s7], $0x5FFFF  }
0x24: {  	[dreg:$0x1] =	wrdreg $0xFFFFFFFF  }
0x25: {  	[dreg:$0x0] =	wrdreg $0x60  }
0x26: {  	[dreg:$0x2] =	wrdreg s25  }
0x27: {  	[dreg:$0x3] =	wrdreg s2  }
0x28: {  	[dreg:$0x4] =	wrdreg $0x9  }
0x29: {  	_ =	task.clear_ibuf [dreg:s7], $0x5FFFF;
	_ =	strace $0x90000049  }
0x2a: {  	s29 =	simm.s32 $0x9;
	_ =	strace $0x8000004B  }
0x2b: {  	_ =	swait.ge [sflag:s29], $0x1  }
0x2c: {  	[sflag:s29] =	ssyncadd.s32 $0xFFFFFFFF  }
0x2d: {  	_ =	strace $0x9000004B  }
0x2e: {  	_ =	sfence  }
0x2f: {  	s30 =	sld [smem:$0x0];
	_ =	sdelay $0x2  }
0x30: {  	s31 =	sshll.u32 s1, $0xD;
	s1 =	sshrl.u32 s1, $0x2  }
0x31: {  	s3 =	sand.u32 $0x4000, s31;
	s1 =	sadd.s32 s1, s30  }
0x32: {  	s0 =	sor.u32 s3, s0;
	s1 =	sshll.u32 s1, $0x11  }
0x33: {  	s0 =	sor.u32 s1, s0  }
0x34: {  	s0 =	sadd.s32 $0x8F2B, s0  }
0x35: {  	[sflag:s0] =	ssyncadd.remote.s32 $0x1  }
0x36: {  	_ =	sfence.sel $0xFFFF  }
0x37: {  	[dreg:$0x0] =	wrdreg $0xFFFFFFFF;
	(pc) =	sbr.abs _section_cstart, $3  }
0x38: {  	[dreg:$0x1] =	wrdreg $0xFFFFFFFF  }
0x39: {  	_ =	task.clear_ibuf [dreg:s7], $0x2FFFF;
	_ =	strace $0x9FFFFFFF  }
0x3a: {  	(tm) =	ssettm $0x7FFFFFFF  }
0x3b: {  	_ =	shalt  }
tec
execute0_lowered:
.L_overlay_start_1:
0x0: {  	(tag) =	ssettag $0x1  }
0x1: {  	s0 =	srdreg.scid  }
0x2: {  	s1 =	sshll.u32 s0, $0x4  }
0x3: {  	s0 =	stileid.u32;
	s1 =	sand.u32 $0x10, s1  }
0x4: {  	s1 =	sor.u32 s0, s1  }
0x5: {  	s6 =	rddreg [dreg:$0x0];
	s4 =	simm.s32 $0x1;
	s2 =	sshll.u32 s1, $0x7  }
0x6: {  	s7 =	simm.s32 $0x2;
	s12 =	simm.s32 $0x0;
	s1 =	ssub.s32 $0x4000, s2  }
0x7: {  	s8 =	simm.s32 $0x20000;
	s13 =	simm.s32 $0x0;
	s3 =	sand.u32 $0xF80, s1  }
0x8: {  	s9 =	simm.s32 $0x0;
	s5 =	sshrl.u32 s1, $0xC;
	p0 =	sne.s32 s3, $0x0  }
.Ltmp0:
0x9: {  	s1 =	rddreg [dreg:$0x2];
	s4 =	simm.s32 @!p0 $0x0;
	(pc) =	sbr.rel .LBB1_1-.Ltmp0, $4  }
0xa: {  	s11 =	simm.s32 $0x0;
	s3 =	rddreg [dreg:$0x1];
	s5 =	sadd.s32 s4, s5  }
0xb: {  	_ =	strace $0x8000004A;
	s4 =	simm.s32 $0x1;
	s5 =	smul.u32 $0x32, s5  }
0xc: {  	s6 =	sadd.s32 $0xA00, s6;
	s10 =	smov.u32 s2;
	[sflag:s4] =	ssyncpa.u1 $0x0  }
0xd: {  	p0 =	por $0x0, $0x0;
	[sflag:s7] =	ssyncpa.u1 $0x0;
	s7 =	sor.u32 $0x1, s5  }
.LBB1_4:
0xe: {  	s16 =	sshll.u32 s13, $0x3;
	s17 =	sand.u32 $0x78, s13  }
0xf: {  	s30 =	sand.u32 $0x1F800, s13;
	s12 =	sshll.u32 s12, $0x11;
	s16 =	sand.u32 $0x3C00, s16  }
0x10: {  	[tilespmem:s15+$0x810 ss:$0x81] =	vst.msk $0xffff, v2;
	s31 =	sand.u32 $0x7, s13;
	s16 =	sor.u32 s17, s16;
	s17 =	sadd.s32 s3, s30  }
0x11: {  	[tilespmem:s15+$0x1020 ss:$0x81] =	vst.msk $0xffff, v0;
	s13 =	sshll.u32 s31, $0x12;
	s12 =	sadd.s32 s12, s17;
	s16 =	sshrl.u32 s16, $0x3  }
0x12: {  	[tilespmem:s15+$0x0 ss:$0x81] =	vst.msk $0xffff, v1;
	s13 =	sor.u32 $0x400, s13;
	s12 =	sadd.s32 s16, s12  }
0x13: {  	[hbm4b:s12+s13] =	stream.strided.scatter [tilespmem:s14], [sflag:$0x2], $0x2000, s8, s13, $0x20;
	[tilespmem:$0x8080] =	vst v63  }
.LBB1_5:
0x14: {  	s14 =	sadd.s32 $0x1, s9  }
0x15: {  	s12 =	sadd.s32 $0x1000, s10;
	s16 =	smov.u32 s10;
	p2 =	sgt.s32 s14, $0x31  }
0x16: {  	s16 =	smov.u32 @p2 s12  }
0x17: {  	s14 =	simm.s32 @p2 $0x0;
	p2 =	sgt.s32 s16, $0x3FFF  }
0x18: {  	s16 =	smov.u32 @p2 s2;
	p2 =	sne.s32 s11, s7  }
.Ltmp1:
0x19: {  	p1 =	slt.u32 s11, $0x2;
	(pc) =	sbr.rel @!p2 .LBB1_6-.Ltmp1, $4  }
0x1a: {  	s15 =	simm.s32 @!p1 $0x2  }
0x1b: {  	s13 =	smov.u32 s10;
	p0 =	por !p0, !p0;
	_ =	swait.ge @!p1 [sflag:s15], $0x2000  }
0x1c: {  	s12 =	smov.u32 s9;
	[sflag:s15] =	ssyncset.done @!p1 $0x0;
	s9 =	smov.u32 s14  }
0x1d: {  	s11 =	sadd.s32 $0x1, s11;
	[sflag:s15] =	ssyncadd.s32 @!p1 $0xFFFFE000;
	s10 =	smov.u32 s16  }
.LBB1_1:
0x1e: {  	p1 =	sge.u32 s11, s5  }
0x1f: {  	s14 =	sand.u32 @!p1 $0x1FFFFFF, s9  }
0x20: {  	s15 =	smulhi.u32 @!p1 $0x4924925, s14;
	_ =	sdelay $0x1  }
0x21: {  	s15 =	smul.u32 @!p1 $0x38, s15  }
0x22: {  	s16 =	sxor.u32 @!p1 $0xFFFFFFFF, s11;
	s17 =	smul.u32 @!p1 $0x380, s10  }
0x23: {  	s31 =	sadd.s32 $0xFFFFFFFF, s11;
	s16 =	sshll.u32 @!p1 s16, $0xD;
	s14 =	ssub.s32 @!p1 s14, s15  }
0x24: {  	s15 =	sand.u32 @!p1 $0x2000, s16;
	s16 =	sadd.s32 @!p1 s6, s17;
	s14 =	sshll.u32 @!p1 s14, $0x4  }
0x25: {  	s17 =	simm.s32 @!p1 $0x1C00;
	s14 =	sadd.s32 @!p1 s14, s16;
	s16 =	simm.s32 @!p1 $0x40  }
0x26: {  	[tilespmem:s15], [sflag:$0x1] =	stream.strided.gather @!p1 [hbm4b:s14+s16], $0x2000, s17, s16, $0x38;
	[tilespmem:$0x8080] =	vst v63  }
0x27: {  	p1 =	sge.u32 s31, s5  }
.Ltmp2:
0x28: {  	_ = 	snop;
	(pc) =	sbr.rel @p1 .LBB1_5-.Ltmp2, $1  }
0x29: {  	_ =	sdelay $0x3  }
0x2a: {  	s14 =	simm.s32 $0x1  }
0x2b: {  	_ =	swait.ge [sflag:s4], $0x2000;
	s14 =	simm.s32 @!p0 $0x0  }
0x2c: {  	[sflag:s4] =	ssyncset.done $0x0;
	s15 =	sshll.u32 s14, $0xD  }
0x2d: {  	[sflag:s4] =	ssyncadd.s32 $0xFFFFE000;
	s18 =	sor.u32 $0x20, s15  }
0x2e: {  	s14 =	smul.u32 $0x8100, s14;
	v3 =	vld [tilespmem:s18+$0x10]  }
0x2f: {  	s30 =	sand.u32 $0x1, s11;
	v2 =	vld [tilespmem:s18+$0xFFFFFFF0]  }
0x30: {  	s15 =	smul.u32 $0x8100, s30;
	s14 =	sshrl.u32 s14, $0x2;
	v0 =	vld [tilespmem:s18+$0x0]  }
0x31: {  	v1 =	vld [tilespmem:s18+$0xFFFFFFE0];
	s16 =	sor.u32 $0x4000, s14  }
0x32: {  	s31 =	sshrl.u32 s15, $0x2;
	s15 =	sadd.s32 $0x0, s16  }
0x33: {  	s17 =	simm.s32 $0x4;
	s18 =	sadd.s32 $0x40, s18;
	s14 =	sor.u32 $0x4000, s31;
	[tilespmem:s15+$0x1830 ss:$0x81] =	vst.msk $0xffff, v3  }
.LBB1_3:
0x34: {  	v3 =	vld [tilespmem:s18+$0x10];
	p1 =	sne.s32 s17, $0x1FC;
	[tilespmem:s15+$0x810 ss:$0x81] =	vst.msk $0xffff, v2;
	s19 =	smov.u32 s17;
	s17 =	sadd.s32 $0x4, s17  }
.Ltmp3:
0x35: {  	v2 =	vld [tilespmem:s18+$0xFFFFFFF0];
	[tilespmem:s15+$0x1020 ss:$0x81] =	vst.msk $0xffff, v0;
	(pc) =	sbr.rel @p1 .LBB1_3-.Ltmp3, $4  }
0x36: {  	v0 =	vld [tilespmem:s18+$0x0];
	[tilespmem:s15+$0x0 ss:$0x81] =	vst.msk $0xffff, v1  }
0x37: {  	s15 =	sshra.s32 s19, $0x2;
	v1 =	vld [tilespmem:s18+$0xFFFFFFE0]  }
0x38: {  	s15 =	sadd.s32 s15, s16  }
0x39: {  	s18 =	sadd.s32 $0x40, s18;
	[tilespmem:s15+$0x1830 ss:$0x81] =	vst.msk $0xffff, v3  }
.Ltmp4:
0x3a: {  	_ = 	snop;
	(pc) =	sbr.rel .LBB1_4-.Ltmp4, $1  }
0x3b: {  	_ =	sdelay $0x3  }
.LBB1_6:
0x3c: {  	_ =	sfence.sel $0x180000  }
0x3d: {  	s2 =	simm.s32 $0x1;
	[bflag:$0x0] =	sbarrier.arrive $0xFFFF  }
0x3e: {  	s31 =	simm.s32 $0x2;
	[sflag:s2] =	ssyncpa.u1 $0x1  }
0x3f: {  	[sflag:s31] =	ssyncpa.u1 $0x1  }
0x40: {  	p0 =	sne.s32 s0, $0x0;
	_ =	strace $0x9000004A  }
0x41: {  	s0 =	sadd.s32 @!p0 $0x100000, s1;
	[bflag:$0x2] =	sbarrier.arrive $0xFFFF  }
0x42: {  	[sflag:s0] =	ssyncadd.tile.s32 @!p0 $0x1;
	_ =	shalt  }
.Lfunc_end1:
_tile_overlayer_lowered:
.L_overlay_start_2:
0x43: {  	(tag) =	ssettag $0x2  }
0x44: {  	s0 =	rddreg [dreg:$0x0];
	s2 =	stileid.u32  }
0x45: {  	s1 =	rddreg [dreg:$0x1];
	p0 =	sne.s32 s2, $0x0  }
0x46: {  	s3 =	rddreg [dreg:$0x2];
	[bflag:$0x3] =	sbarrier.arrive $0xFFFF;
	s2 =	simm.s32 @!p0 $0x1C01  }
0x47: {  	[timem:s3], [sflag:s2] =	dma.local @!p0 [hbm:s0], s1  }
0x48: {  	s0 =	simm.s32 @!p0 $0x1  }
0x49: {  	_ =	swait.ge @!p0 [sflag:s0], s1  }
0x4a: {  	s1 =	ssub.s32 @!p0 $0x0, s1;
	[sflag:s0] =	ssyncset.done @!p0 $0x0  }
0x4b: {  	[sflag:s0] =	ssyncadd.s32 @!p0 s1  }
0x4c: {  	[bflag:$0x3] =	sbarrier.arrive $0xFFFF  }
0x4d: {  	_ =	shalt  }

</sc_bundles>
